<compile_context>
chip_gen: v7x
topology: tpu7x:2x2x1
jax: 0.10.2.dev20260603
libtpu: 0.0.44.dev20260713+nightly
codegen_flags: <defaults>
</compile_context>

<pallas_src>
import functools

import jax
import jax.numpy as jnp
from jax import lax
from jax.experimental import pallas as pl
from jax.experimental.pallas import tpu as pltpu
from jax.experimental.pallas import tpu_sc as plsc

B = 4
N = 4096
NG = 256
GS = 32
KI = 32
DF = 91
DFP = 128
H = 384
EPS = 1e-5
NT = 8
TR = N // NT


def _fps_body(xyzt_ref, cx_ref, cy_ref, cz_ref, dist_ref):
    x = xyzt_ref[0]
    y = xyzt_ref[1]
    z = xyzt_ref[2]
    dist_ref[...] = jnp.full((B, N), 1e10, jnp.float32)
    iota = lax.broadcasted_iota(jnp.int32, (B, N), 1)

    def body(i, far):
        oh = iota == far
        cx = jnp.sum(jnp.where(oh, x, 0.0), axis=1, keepdims=True)
        cy = jnp.sum(jnp.where(oh, y, 0.0), axis=1, keepdims=True)
        cz = jnp.sum(jnp.where(oh, z, 0.0), axis=1, keepdims=True)
        cx_ref[pl.ds(i, 1), :] = cx.T
        cy_ref[pl.ds(i, 1), :] = cy.T
        cz_ref[pl.ds(i, 1), :] = cz.T
        dx = x - cx
        dy = y - cy
        dz = z - cz
        d = (dx * dx + dy * dy) + dz * dz
        dist = jnp.minimum(dist_ref[...], d)
        dist_ref[...] = dist
        return jnp.argmax(dist, axis=1).astype(jnp.int32)[:, None]

    lax.fori_loop(0, NG, body, jnp.zeros((B, 1), jnp.int32))


def _fps(xyzt):
    return pl.pallas_call(
        _fps_body,
        out_shape=[jax.ShapeDtypeStruct((NG, B), jnp.float32)] * 3,
        scratch_shapes=[pltpu.VMEM((B, N), jnp.float32)],
    )(xyzt)


def _feat_body(pts_ref, xyz_ref, out_ref):
    p = pts_ref[0]
    xyz = xyz_ref[0]
    pieces = [p, xyz]
    for f in (1.0, 2.0, 4.0, 8.0):
        pieces.append(jnp.sin(f * xyz))
        pieces.append(jnp.cos(f * xyz))
    pieces.append(jnp.zeros((TR, DFP - DF), jnp.float32))
    out_ref[0] = jnp.concatenate(pieces, axis=-1)


def _feat(points, xyz):
    return pl.pallas_call(
        _feat_body,
        grid=(B, NT),
        in_specs=[
            pl.BlockSpec((1, TR, 64), lambda b, t: (b, t, 0)),
            pl.BlockSpec((1, TR, 3), lambda b, t: (b, t, 0)),
        ],
        out_specs=pl.BlockSpec((1, TR, DFP), lambda b, t: (b, t, 0)),
        out_shape=jax.ShapeDtypeStruct((B, N, DFP), jnp.float32),
    )(points, xyz)


def _knn1_body(xyzt_ref, ct_ref, idx_ref, d_ref):
    b = pl.program_id(0)
    x3 = xyzt_ref[0]
    c3 = ct_ref[0]
    prod = lax.dot_general(c3, x3, (((0,), (0,)), ((), ())),
                           preferred_element_type=jnp.float32)
    cs = ((c3[0] * c3[0] + c3[1] * c3[1]) + c3[2] * c3[2])[:, None]
    xs = ((x3[0] * x3[0] + x3[1] * x3[1]) + x3[2] * x3[2])[None, :]
    d_ref[...] = (-2.0 * prod + cs) + xs
    iota = lax.broadcasted_iota(jnp.int32, (NG, N), 1)
    base = b * N

    def body(s, _):
        d = d_ref[...]
        amin = jnp.argmin(d, axis=1).astype(jnp.int32)
        idx_ref[0, pl.ds(s, 1), :] = (amin + base)[None, :]
        d_ref[...] = jnp.where(iota == amin[:, None], jnp.inf, d)
        return 0

    lax.fori_loop(0, GS, body, 0)


def _knn1(xyzt, centt):
    return pl.pallas_call(
        _knn1_body,
        grid=(B,),
        in_specs=[
            pl.BlockSpec((1, 3, N), lambda b: (b, 0, 0)),
            pl.BlockSpec((1, 3, NG), lambda b: (b, 0, 0)),
        ],
        out_specs=pl.BlockSpec((1, GS, NG), lambda b: (b, 0, 0)),
        out_shape=jax.ShapeDtypeStruct((B, GS, NG), jnp.int32),
        scratch_shapes=[pltpu.VMEM((NG, N), jnp.float32)],
    )(xyzt, centt)


def _knn2_body(xyzt_ref, ct_ref, w_ref, d_ref, d0_ref, rec_ref):
    x3 = xyzt_ref[0]
    c3 = ct_ref[0]
    prod = lax.dot_general(x3, c3, (((0,), (0,)), ((), ())),
                           preferred_element_type=jnp.float32)
    xs = ((x3[0] * x3[0] + x3[1] * x3[1]) + x3[2] * x3[2])[:, None]
    cs = ((c3[0] * c3[0] + c3[1] * c3[1]) + c3[2] * c3[2])[None, :]
    d0 = (-2.0 * prod + xs) + cs
    d0_ref[...] = d0
    d_ref[...] = d0
    iota = lax.broadcasted_iota(jnp.int32, (N, NG), 1)

    def body(s, _):
        d = d_ref[...]
        m = jnp.min(d, axis=1)
        amin = jnp.argmin(d, axis=1).astype(jnp.int32)
        rec_ref[pl.ds(s, 1), :] = (1.0 / (m + 1e-4))[None, :]
        d_ref[...] = jnp.where(iota == amin[:, None], jnp.inf, d)
        return 0

    lax.fori_loop(0, KI, body, 0)
    r = rec_ref[...]
    acc8 = ((r[0:8] + r[8:16]) + r[16:24]) + r[24:32]
    a4 = acc8[0:4] + acc8[4:8]
    a2 = a4[0:2] + a4[2:4]
    ssum = a2[0:1] + a2[1:2]
    sel = d_ref[...] == jnp.inf
    w = jnp.where(sel, 1.0 / (d0_ref[...] + 1e-4), 0.0)
    w_ref[0] = w / jnp.transpose(ssum)


def _knn2(xyzt, centt):
    return pl.pallas_call(
        _knn2_body,
        grid=(B,),
        in_specs=[
            pl.BlockSpec((1, 3, N), lambda b: (b, 0, 0)),
            pl.BlockSpec((1, 3, NG), lambda b: (b, 0, 0)),
        ],
        out_specs=pl.BlockSpec((1, N, NG), lambda b: (b, 0, 0)),
        out_shape=jax.ShapeDtypeStruct((B, N, NG), jnp.float32),
        scratch_shapes=[pltpu.VMEM((N, NG), jnp.float32),
                        pltpu.VMEM((N, NG), jnp.float32),
                        pltpu.VMEM((KI, N), jnp.float32)],
    )(xyzt, centt)


_NROWS = B * GS * NG


def _sc_gather(table, idx):
    info = plsc.get_sparse_core_info()
    nc, ns = info.num_cores, info.num_subcores
    nw = nc * ns
    rows_per_w = _NROWS // nw
    nchunk = 2
    chunk = rows_per_w // nchunk
    mesh = plsc.VectorSubcoreMesh(core_axis_name="c", subcore_axis_name="s")

    @functools.partial(
        pl.kernel,
        mesh=mesh,
        out_type=jax.ShapeDtypeStruct((_NROWS, DFP), jnp.float32),
        scratch_types=[
            pltpu.VMEM((chunk,), jnp.int32),
            pltpu.VMEM((chunk, DFP), jnp.float32),
            pltpu.SemaphoreType.DMA,
        ],
    )
    def k(table_hbm, idx_hbm, out_hbm, idx_v, rows_v, sem):
        wid = lax.axis_index("s") * nc + lax.axis_index("c")
        base = wid * rows_per_w
        for j in range(nchunk):
            off = base + j * chunk
            pltpu.sync_copy(idx_hbm.at[pl.ds(off, chunk)], idx_v)
            pltpu.async_copy(table_hbm.at[idx_v], rows_v, sem).wait()
            pltpu.sync_copy(rows_v, out_hbm.at[pl.ds(off, chunk)])

    return k(table, idx)


def _sa_body(g_ref, w1_ref, b1_ref, g1_ref, be1_ref, out_ref, pre_ref):
    w1 = w1_ref[...]
    b1 = b1_ref[...]

    def body(i, carry):
        ssum, ssq = carry
        bq = i // GS
        s = i % GS
        chunk = g_ref[i]
        h = lax.dot_general(chunk, w1, (((1,), (1,)), ((), ())),
                            preferred_element_type=jnp.float32) + b1
        ssum = ssum + jnp.sum(h, axis=0)
        ssq = ssq + jnp.sum(h * h, axis=0)
        prev = pre_ref[bq]
        pre_ref[bq] = jnp.where(s == 0, h, jnp.maximum(prev, h))
        return ssum, ssq

    init = (jnp.zeros((H,), jnp.float32), jnp.zeros((H,), jnp.float32))
    ssum, ssq = lax.fori_loop(0, B * GS, body, init)
    cnt = float(B * GS * NG)
    mean = ssum / cnt
    var = ssq / cnt - mean * mean
    scale = lax.rsqrt(var + EPS) * g1_ref[0]
    shift = be1_ref[0] - mean * scale
    for bq in range(B):
        out_ref[bq] = jnp.maximum(pre_ref[bq] * scale[None, :]
                                  + shift[None, :], 0.0)


def _sa(g, w1, b1, g1, be1):
    return pl.pallas_call(
        _sa_body,
        out_shape=jax.ShapeDtypeStruct((B, NG, H), jnp.float32),
        scratch_shapes=[pltpu.VMEM((B, NG, H), jnp.float32)],
    )(g, w1, b1, g1, be1)


def _fp1_body(wm_ref, ft_ref, sa_ref, wf_ref, wi_ref, b_ref,
              y_ref, s1_ref, s2_ref):
    interp = lax.dot_general(wm_ref[0], sa_ref[0], (((1,), (0,)), ((), ())),
                             preferred_element_type=jnp.float32,
                             precision=lax.Precision.HIGHEST)
    y = lax.dot_general(ft_ref[0], wf_ref[...], (((1,), (1,)), ((), ())),
                        preferred_element_type=jnp.float32)
    y = y + lax.dot_general(interp, wi_ref[...], (((1,), (1,)), ((), ())),
                            preferred_element_type=jnp.float32)
    y = y + b_ref[...]
    y_ref[0] = y
    p1 = jnp.sum(y.reshape(TR // 8, 8, H), axis=0)
    p2 = jnp.sum((y * y).reshape(TR // 8, 8, H), axis=0)
    first = (pl.program_id(0) == 0) & (pl.program_id(1) == 0)

    @pl.when(first)
    def _():
        s1_ref[...] = p1
        s2_ref[...] = p2

    @pl.when(jnp.logical_not(first))
    def _():
        s1_ref[...] += p1
        s2_ref[...] += p2


def _fp1(wmat, feat, sa, wf, wi, b1):
    return pl.pallas_call(
        _fp1_body,
        grid=(B, NT),
        in_specs=[
            pl.BlockSpec((1, TR, NG), lambda b, t: (b, t, 0)),
            pl.BlockSpec((1, TR, DFP), lambda b, t: (b, t, 0)),
            pl.BlockSpec((1, NG, H), lambda b, t: (b, 0, 0)),
            pl.BlockSpec((H, DFP), lambda b, t: (0, 0)),
            pl.BlockSpec((H, H), lambda b, t: (0, 0)),
            pl.BlockSpec((1, H), lambda b, t: (0, 0)),
        ],
        out_specs=[
            pl.BlockSpec((1, TR, H), lambda b, t: (b, t, 0)),
            pl.BlockSpec((8, H), lambda b, t: (0, 0)),
            pl.BlockSpec((8, H), lambda b, t: (0, 0)),
        ],
        out_shape=[
            jax.ShapeDtypeStruct((B, N, H), jnp.float32),
            jax.ShapeDtypeStruct((8, H), jnp.float32),
            jax.ShapeDtypeStruct((8, H), jnp.float32),
        ],
    )(wmat, feat, sa, wf, wi, b1)


def _fp2_body(y_ref, s1_ref, s2_ref, g_ref, be_ref, w2_ref, b2_ref,
              z_ref, t1_ref, t2_ref):
    cnt = float(B * N)
    mean = jnp.sum(s1_ref[...], axis=0) / cnt
    var = jnp.sum(s2_ref[...], axis=0) / cnt - mean * mean
    scale = lax.rsqrt(var + EPS) * g_ref[0]
    shift = be_ref[0] - mean * scale
    a = jnp.maximum(y_ref[0] * scale[None, :] + shift[None, :], 0.0)
    z = lax.dot_general(a, w2_ref[...], (((1,), (1,)), ((), ())),
                        preferred_element_type=jnp.float32) + b2_ref[...]
    z_ref[0] = z
    p1 = jnp.sum(z.reshape(TR // 8, 8, 8), axis=0)
    p2 = jnp.sum((z * z).reshape(TR // 8, 8, 8), axis=0)
    first = (pl.program_id(0) == 0) & (pl.program_id(1) == 0)

    @pl.when(first)
    def _():
        t1_ref[...] = p1
        t2_ref[...] = p2

    @pl.when(jnp.logical_not(first))
    def _():
        t1_ref[...] += p1
        t2_ref[...] += p2


def _fp2(y, s1, s2, g1, be1, w2p, b2p):
    return pl.pallas_call(
        _fp2_body,
        grid=(B, NT),
        in_specs=[
            pl.BlockSpec((1, TR, H), lambda b, t: (b, t, 0)),
            pl.BlockSpec((8, H), lambda b, t: (0, 0)),
            pl.BlockSpec((8, H), lambda b, t: (0, 0)),
            pl.BlockSpec((1, H), lambda b, t: (0, 0)),
            pl.BlockSpec((1, H), lambda b, t: (0, 0)),
            pl.BlockSpec((8, H), lambda b, t: (0, 0)),
            pl.BlockSpec((1, 8), lambda b, t: (0, 0)),
        ],
        out_specs=[
            pl.BlockSpec((1, TR, 8), lambda b, t: (b, t, 0)),
            pl.BlockSpec((8, 8), lambda b, t: (0, 0)),
            pl.BlockSpec((8, 8), lambda b, t: (0, 0)),
        ],
        out_shape=[
            jax.ShapeDtypeStruct((B, N, 8), jnp.float32),
            jax.ShapeDtypeStruct((8, 8), jnp.float32),
            jax.ShapeDtypeStruct((8, 8), jnp.float32),
        ],
    )(y, s1, s2, g1, be1, w2p, b2p)


def _fin_body(z_ref, t1_ref, t2_ref, g_ref, be_ref, out_ref):
    cnt = float(B * N)
    mean = jnp.sum(t1_ref[...], axis=0) / cnt
    var = jnp.sum(t2_ref[...], axis=0) / cnt - mean * mean
    scale = lax.rsqrt(var + EPS) * g_ref[0]
    shift = be_ref[0] - mean * scale
    for bq in range(B):
        v = jnp.maximum(z_ref[bq] * scale[None, :] + shift[None, :], 0.0)
        out_ref[bq] = v[:, :3]


def _fin(z, t1, t2, g2p, be2p):
    return pl.pallas_call(
        _fin_body,
        out_shape=jax.ShapeDtypeStruct((B, N, 3), jnp.float32),
    )(z, t1, t2, g2p, be2p)


def kernel(xyz, points, params):
    xyzt = jnp.transpose(xyz, (0, 2, 1))
    fps_in = jnp.transpose(xyz, (2, 0, 1))
    cx, cy, cz = _fps(fps_in)
    centt = jnp.stack([cx.T, cy.T, cz.T], axis=1)

    feat = _feat(points, xyz)
    idx = _knn1(xyzt, centt)
    wmat = _knn2(xyzt, centt)

    table = feat.reshape(B * N, DFP)
    g = _sc_gather(table, idx.reshape(_NROWS))
    g = g.reshape(B * GS, NG, DFP)

    w1p = jnp.pad(params['sa_w1'], ((0, 0), (0, DFP - DF)))
    sa = _sa(g, w1p, params['sa_b1'][None, :],
             params['sa_g1'][None, :], params['sa_be1'][None, :])

    wf = jnp.pad(params['fp1_w'][:, :DF], ((0, 0), (0, DFP - DF)))
    wi = params['fp1_w'][:, DF:]
    y, s1, s2 = _fp1(wmat, feat, sa, wf, wi, params['fp1_b'][None, :])

    w2p = jnp.pad(params['fp2_w'], ((0, 8 - 3), (0, 0)))
    b2p = jnp.pad(params['fp2_b'], (0, 8 - 3))[None, :]
    z, t1, t2 = _fp2(y, s1, s2, params['fp1_g'][None, :],
                     params['fp1_be'][None, :], w2p, b2p)

    g2p = jnp.pad(params['fp2_g'], (0, 8 - 3))[None, :]
    be2p = jnp.pad(params['fp2_be'], (0, 8 - 3))[None, :]
    return _fin(z, t1, t2, g2p, be2p)

# --- scband reference (transcript-rebuilt; emitter-appended) ---
"""Pipeline reference for scband-shift-net-86921548136943 (READ-ONLY COPY).

The authoritative reference and input builder live on the scoring server;
editing this copy changes nothing except your own understanding.
"""

import jax, jax.numpy as jnp
import numpy as np

NUM_GROUP = 256
GROUP_SIZE = 32
K_INTERP = 32
N_FREQS = 4


def square_distance(src, dst):
    dist = -2.0 * jnp.matmul(src, jnp.swapaxes(dst, 1, 2))
    dist = dist + jnp.sum(src ** 2, -1)[:, :, None]
    dist = dist + jnp.sum(dst ** 2, -1)[:, None, :]
    return dist


def index_points(points, idx):
    return jax.vmap(lambda p, i: p[i])(points, idx)


def fps(xyz, npoint):
    B, N, _ = xyz.shape
    def body(i, carry):
        centroids, distance, farthest = carry
        centroids = centroids.at[:, i].set(farthest)
        centroid = index_points(xyz, farthest[:, None])
        dist = jnp.sum((xyz - centroid) ** 2, -1)
        distance = jnp.minimum(distance, dist)
        farthest = jnp.argmax(distance, axis=-1).astype(jnp.int32)
        return (centroids, distance, farthest)
    centroids = jnp.zeros((B, npoint), dtype=jnp.int32)
    distance = jnp.full((B, N), 1e10, dtype=xyz.dtype)
    farthest = jnp.zeros((B,), dtype=jnp.int32)
    centroids, _, _ = jax.lax.fori_loop(0, npoint, body, (centroids, distance, farthest))
    return centroids


def positional_embedding(x):
    freqs = 2.0 ** np.arange(N_FREQS)
    out = [x]
    for f in freqs:
        out.append(jnp.sin(f * x))
        out.append(jnp.cos(f * x))
    return jnp.concatenate(out, -1)


def batchnorm(x, gamma, beta, channel_axis=1, eps=1e-5):
    axes = tuple(i for i in range(x.ndim) if i != channel_axis)
    mean = jnp.mean(x, axis=axes, keepdims=True)
    var = jnp.var(x, axis=axes, keepdims=True)
    shape = [1] * x.ndim
    shape[channel_axis] = -1
    return (x - mean) / jnp.sqrt(var + eps) * gamma.reshape(shape) + beta.reshape(shape)


def _forward(xyz, points, params, center_idx):
    B, N, _ = xyz.shape
    pe = positional_embedding(xyz)
    feat = jnp.concatenate([points, pe], -1)
    center = index_points(xyz, center_idx)
    d = square_distance(center, xyz)
    _, idx = jax.lax.top_k(-d, GROUP_SIZE)
    grouped = index_points(feat, idx.reshape(B, -1)).reshape(B, NUM_GROUP, GROUP_SIZE, -1)
    h = jnp.transpose(grouped, (0, 3, 2, 1))
    h = jnp.einsum('od,bdsg->bosg', params['sa_w1'], h) + params['sa_b1'][None, :, None, None]
    h = jax.nn.relu(batchnorm(h, params['sa_g1'], params['sa_be1']))
    sa_out = jnp.transpose(jnp.max(h, axis=2), (0, 2, 1))
    d2 = square_distance(xyz, center)
    negv, idx2 = jax.lax.top_k(-d2, K_INTERP)
    dists = -negv
    dist_recip = 1.0 / (dists + 0.0001)
    weight = dist_recip / jnp.sum(dist_recip, axis=2, keepdims=True)
    gathered = index_points(sa_out, idx2.reshape(B, -1)).reshape(B, N, K_INTERP, -1)
    interp = jnp.sum(gathered * weight[..., None], axis=2)
    x = jnp.transpose(jnp.concatenate([feat, interp], -1), (0, 2, 1))
    for lyr in ('fp1', 'fp2'):
        x = jnp.einsum('oc,bcn->bon', params[lyr + '_w'], x) + params[lyr + '_b'][None, :, None]
        x = jax.nn.relu(batchnorm(x, params[lyr + '_g'], params[lyr + '_be']))
    return jnp.transpose(x, (0, 2, 1))


def setup_inputs(seed: int = 0):
    key = jax.random.key(seed)
    ks = jax.random.split(key, 10)
    B, N, Cin = 4, 4096, 64
    d_feat = Cin + 3 * (1 + 2 * N_FREQS)
    hidden = 384
    out_ch = 3
    xyz = jax.random.uniform(ks[0], (B, N, 3), dtype=jnp.float32)
    points = jax.random.normal(ks[1], (B, N, Cin), dtype=jnp.float32)
    params = {
        'sa_w1': jax.random.normal(ks[2], (hidden, d_feat), dtype=jnp.float32) * 0.05,
        'sa_b1': jnp.zeros((hidden,), dtype=jnp.float32),
        'sa_g1': jnp.ones((hidden,), dtype=jnp.float32),
        'sa_be1': jnp.zeros((hidden,), dtype=jnp.float32),
        'fp1_w': jax.random.normal(ks[3], (hidden, d_feat + hidden), dtype=jnp.float32) * 0.05,
        'fp1_b': jnp.zeros((hidden,), dtype=jnp.float32),
        'fp1_g': jnp.ones((hidden,), dtype=jnp.float32),
        'fp1_be': jnp.zeros((hidden,), dtype=jnp.float32),
        'fp2_w': jax.random.normal(ks[4], (out_ch, hidden), dtype=jnp.float32) * 0.05,
        'fp2_b': jnp.zeros((out_ch,), dtype=jnp.float32),
        'fp2_g': jnp.ones((out_ch,), dtype=jnp.float32),
        'fp2_be': jnp.zeros((out_ch,), dtype=jnp.float32),
    }
    return {'xyz': xyz, 'points': points, 'params': params}


def reference(xyz, points, params):
    center_idx = fps(xyz, NUM_GROUP)
    return _forward(xyz, points, params, center_idx)

if __name__ == "__main__":
    import jax
    _d = setup_inputs()
    print(jax.jit(kernel)(*tuple(_d.values())))

</pallas_src>

<mosaic_0001>
#map = affine_map<(d0, d1) -> (0, 0)>
#map1 = affine_map<(d0, d1) -> (0)>
module attributes {stable_mosaic.version = 14 : i64} {
  func.func @k(%arg0: i32, %arg1: i32, %arg2: memref<16384x128xf32, #tpu.memory_space<hbm>>, %arg3: memref<32768xi32, #tpu.memory_space<hbm>>, %arg4: memref<32768x128xf32, #tpu.memory_space<hbm>>, %arg5: memref<512xi32, #tpu.memory_space<vmem>>, %arg6: memref<512x128xf32, #tpu.memory_space<vmem>>, %arg7: memref<!tpu.dma_semaphore, #tpu.memory_space<semaphore_mem>>) attributes {dimension_semantics = [#tpu.dimension_semantics<core_parallel>, #tpu.dimension_semantics<subcore_parallel>], iteration_bounds = array<i64: 2, 16>, scalar_prefetch = 0 : i64, scratch_operands = 3 : i64, tpu.core_type = #tpu.core_type<sc_vector_subcore>, window_params = [{transform_indices = #map}, {transform_indices = #map1}, {transform_indices = #map}]} {
    %mul3A = arith.constant 2 : i32
    %mul3A_0 = arith.muli %arg1, %mul3A : i32
    %add3A = arith.addi %mul3A_0, %arg0 : i32
    %mul3A_1 = arith.constant 1024 : i32
    %mul3A_2 = arith.muli %add3A, %mul3A_1 : i32
    %add3A_3 = arith.constant 0 : i32
    %add3A_4 = arith.addi %mul3A_2, %add3A_3 : i32
    "tpu.region"() ({
      %run_scoped3A = tpu.sem_alloc : memref<!tpu.dma_semaphore, #tpu.memory_space<semaphore_mem>>
      %dma_start3A_17 = tpu.memref_slice %arg3[%add3A_4] : memref<32768xi32, #tpu.memory_space<hbm>> -> memref<512xi32, #tpu.memory_space<hbm>>
      %dma_start3A_18 = tpu.memref_slice %arg3[%add3A_4] : memref<32768xi32, #tpu.memory_space<hbm>> -> memref<512xi32, #tpu.memory_space<hbm>>
      tpu.enqueue_dma source(%dma_start3A_18 : memref<512xi32, #tpu.memory_space<hbm>>) target(%arg5 : memref<512xi32, #tpu.memory_space<vmem>>) target_semaphore(%run_scoped3A : memref<!tpu.dma_semaphore, #tpu.memory_space<semaphore_mem>>)
      %dma_wait3A_19 = tpu.memref_slice %arg3[%add3A_4] : memref<32768xi32, #tpu.memory_space<hbm>> -> memref<512xi32, #tpu.memory_space<hbm>>
      %dma_wait3A_20 = tpu.memref_slice %arg3[%add3A_4] : memref<32768xi32, #tpu.memory_space<hbm>> -> memref<512xi32, #tpu.memory_space<hbm>>
      tpu.wait_dma2 semaphore(%run_scoped3A : memref<!tpu.dma_semaphore, #tpu.memory_space<semaphore_mem>>) src(%dma_wait3A_20 : memref<512xi32, #tpu.memory_space<hbm>>) dst(%arg5 : memref<512xi32, #tpu.memory_space<vmem>>)
      tpu.yield
    }) : () -> ()
    %dma_start3A = arith.constant 0 : i32
    %dma_start3A_5 = arith.constant 0 : i32
    %dma_start3A_6 = tpu.memref_slice %arg2[%dma_start3A, %dma_start3A_5] : memref<16384x128xf32, #tpu.memory_space<hbm>> -> memref<16384x128xf32, #tpu.memory_space<hbm>>
    tpu.enqueue_indirect_dma source(%dma_start3A_6 : memref<16384x128xf32, #tpu.memory_space<hbm>>) target(%arg6 : memref<512x128xf32, #tpu.memory_space<vmem>>) offsets(%arg5 : memref<512xi32, #tpu.memory_space<vmem>>) semaphore(%arg7 : memref<!tpu.dma_semaphore, #tpu.memory_space<semaphore_mem>>)
    %dma_wait3A = arith.constant 0 : i32
    %dma_wait3A_7 = arith.constant 0 : i32
    %dma_wait3A_8 = tpu.memref_slice %arg2[%dma_wait3A, %dma_wait3A_7] : memref<16384x128xf32, #tpu.memory_space<hbm>> -> memref<16384x128xf32, #tpu.memory_space<hbm>>
    tpu.wait_indirect_dma semaphore(%arg7 : memref<!tpu.dma_semaphore, #tpu.memory_space<semaphore_mem>>) src(%dma_wait3A_8 : memref<16384x128xf32, #tpu.memory_space<hbm>>) dst(%arg6 : memref<512x128xf32, #tpu.memory_space<vmem>>)
    "tpu.region"() ({
      %run_scoped3A = tpu.sem_alloc : memref<!tpu.dma_semaphore, #tpu.memory_space<semaphore_mem>>
      %dma_start3A_17 = arith.constant 0 : i32
      %dma_start3A_18 = tpu.memref_slice %arg4[%add3A_4, %dma_start3A_17] : memref<32768x128xf32, #tpu.memory_space<hbm>> -> memref<512x128xf32, #tpu.memory_space<hbm>>
      %dma_start3A_19 = arith.constant 0 : i32
      %dma_start3A_20 = tpu.memref_slice %arg4[%add3A_4, %dma_start3A_19] : memref<32768x128xf32, #tpu.memory_space<hbm>> -> memref<512x128xf32, #tpu.memory_space<hbm>>
      tpu.enqueue_dma source(%arg6 : memref<512x128xf32, #tpu.memory_space<vmem>>) target(%dma_start3A_20 : memref<512x128xf32, #tpu.memory_space<hbm>>) target_semaphore(%run_scoped3A : memref<!tpu.dma_semaphore, #tpu.memory_space<semaphore_mem>>)
      %dma_wait3A_21 = arith.constant 0 : i32
      %dma_wait3A_22 = tpu.memref_slice %arg4[%add3A_4, %dma_wait3A_21] : memref<32768x128xf32, #tpu.memory_space<hbm>> -> memref<512x128xf32, #tpu.memory_space<hbm>>
      %dma_wait3A_23 = arith.constant 0 : i32
      %dma_wait3A_24 = tpu.memref_slice %arg4[%add3A_4, %dma_wait3A_23] : memref<32768x128xf32, #tpu.memory_space<hbm>> -> memref<512x128xf32, #tpu.memory_space<hbm>>
      tpu.wait_dma2 semaphore(%run_scoped3A : memref<!tpu.dma_semaphore, #tpu.memory_space<semaphore_mem>>) src(%arg6 : memref<512x128xf32, #tpu.memory_space<vmem>>) dst(%dma_wait3A_24 : memref<512x128xf32, #tpu.memory_space<hbm>>)
      tpu.yield
    }) : () -> ()
    %add3A_9 = arith.constant 512 : i32
    %add3A_10 = arith.addi %mul3A_2, %add3A_9 : i32
    "tpu.region"() ({
      %run_scoped3A = tpu.sem_alloc : memref<!tpu.dma_semaphore, #tpu.memory_space<semaphore_mem>>
      %dma_start3A_17 = tpu.memref_slice %arg3[%add3A_10] : memref<32768xi32, #tpu.memory_space<hbm>> -> memref<512xi32, #tpu.memory_space<hbm>>
      %dma_start3A_18 = tpu.memref_slice %arg3[%add3A_10] : memref<32768xi32, #tpu.memory_space<hbm>> -> memref<512xi32, #tpu.memory_space<hbm>>
      tpu.enqueue_dma source(%dma_start3A_18 : memref<512xi32, #tpu.memory_space<hbm>>) target(%arg5 : memref<512xi32, #tpu.memory_space<vmem>>) target_semaphore(%run_scoped3A : memref<!tpu.dma_semaphore, #tpu.memory_space<semaphore_mem>>)
      %dma_wait3A_19 = tpu.memref_slice %arg3[%add3A_10] : memref<32768xi32, #tpu.memory_space<hbm>> -> memref<512xi32, #tpu.memory_space<hbm>>
      %dma_wait3A_20 = tpu.memref_slice %arg3[%add3A_10] : memref<32768xi32, #tpu.memory_space<hbm>> -> memref<512xi32, #tpu.memory_space<hbm>>
      tpu.wait_dma2 semaphore(%run_scoped3A : memref<!tpu.dma_semaphore, #tpu.memory_space<semaphore_mem>>) src(%dma_wait3A_20 : memref<512xi32, #tpu.memory_space<hbm>>) dst(%arg5 : memref<512xi32, #tpu.memory_space<vmem>>)
      tpu.yield
    }) : () -> ()
    %dma_start3A_11 = arith.constant 0 : i32
    %dma_start3A_12 = arith.constant 0 : i32
    %dma_start3A_13 = tpu.memref_slice %arg2[%dma_start3A_11, %dma_start3A_12] : memref<16384x128xf32, #tpu.memory_space<hbm>> -> memref<16384x128xf32, #tpu.memory_space<hbm>>
    tpu.enqueue_indirect_dma source(%dma_start3A_13 : memref<16384x128xf32, #tpu.memory_space<hbm>>) target(%arg6 : memref<512x128xf32, #tpu.memory_space<vmem>>) offsets(%arg5 : memref<512xi32, #tpu.memory_space<vmem>>) semaphore(%arg7 : memref<!tpu.dma_semaphore, #tpu.memory_space<semaphore_mem>>)
    %dma_wait3A_14 = arith.constant 0 : i32
    %dma_wait3A_15 = arith.constant 0 : i32
    %dma_wait3A_16 = tpu.memref_slice %arg2[%dma_wait3A_14, %dma_wait3A_15] : memref<16384x128xf32, #tpu.memory_space<hbm>> -> memref<16384x128xf32, #tpu.memory_space<hbm>>
    tpu.wait_indirect_dma semaphore(%arg7 : memref<!tpu.dma_semaphore, #tpu.memory_space<semaphore_mem>>) src(%dma_wait3A_16 : memref<16384x128xf32, #tpu.memory_space<hbm>>) dst(%arg6 : memref<512x128xf32, #tpu.memory_space<vmem>>)
    "tpu.region"() ({
      %run_scoped3A = tpu.sem_alloc : memref<!tpu.dma_semaphore, #tpu.memory_space<semaphore_mem>>
      %dma_start3A_17 = arith.constant 0 : i32
      %dma_start3A_18 = tpu.memref_slice %arg4[%add3A_10, %dma_start3A_17] : memref<32768x128xf32, #tpu.memory_space<hbm>> -> memref<512x128xf32, #tpu.memory_space<hbm>>
      %dma_start3A_19 = arith.constant 0 : i32
      %dma_start3A_20 = tpu.memref_slice %arg4[%add3A_10, %dma_start3A_19] : memref<32768x128xf32, #tpu.memory_space<hbm>> -> memref<512x128xf32, #tpu.memory_space<hbm>>
      tpu.enqueue_dma source(%arg6 : memref<512x128xf32, #tpu.memory_space<vmem>>) target(%dma_start3A_20 : memref<512x128xf32, #tpu.memory_space<hbm>>) target_semaphore(%run_scoped3A : memref<!tpu.dma_semaphore, #tpu.memory_space<semaphore_mem>>)
      %dma_wait3A_21 = arith.constant 0 : i32
      %dma_wait3A_22 = tpu.memref_slice %arg4[%add3A_10, %dma_wait3A_21] : memref<32768x128xf32, #tpu.memory_space<hbm>> -> memref<512x128xf32, #tpu.memory_space<hbm>>
      %dma_wait3A_23 = arith.constant 0 : i32
      %dma_wait3A_24 = tpu.memref_slice %arg4[%add3A_10, %dma_wait3A_23] : memref<32768x128xf32, #tpu.memory_space<hbm>> -> memref<512x128xf32, #tpu.memory_space<hbm>>
      tpu.wait_dma2 semaphore(%run_scoped3A : memref<!tpu.dma_semaphore, #tpu.memory_space<semaphore_mem>>) src(%arg6 : memref<512x128xf32, #tpu.memory_space<vmem>>) dst(%dma_wait3A_24 : memref<512x128xf32, #tpu.memory_space<hbm>>)
      tpu.yield
    }) : () -> ()
    return
  }
}

module attributes {stable_mosaic.version = 14 : i64} {
  func.func @_knn1_body(%arg0: i32, %arg1: memref<1x3x4096xf32, #tpu.memory_space<vmem>>, %arg2: memref<1x3x256xf32, #tpu.memory_space<vmem>>, %arg3: memref<1x32x256xi32, #tpu.memory_space<vmem>>, %arg4: memref<256x4096xf32, #tpu.memory_space<vmem>>) attributes {dimension_semantics = [#tpu.dimension_semantics<arbitrary>], iteration_bounds = array<i64: 4>, scalar_prefetch = 0 : i64, scratch_operands = 1 : i64, tpu.core_type = #tpu.core_type<tc>, window_params = [{transform_indices = @transform_0, window_bounds = array<i64: 1, 3, 4096>}, {transform_indices = @transform_1, window_bounds = array<i64: 1, 3, 256>}, {transform_indices = @transform_2, window_bounds = array<i64: 1, 32, 256>}]} {
    %get3A = arith.constant 0 : index
    %get3A_0 = arith.constant 0 : index
    %get3A_1 = arith.constant 0 : index
    %get3A_2 = vector.load %arg1[%get3A, %get3A_0, %get3A_1] : memref<1x3x4096xf32, #tpu.memory_space<vmem>>, vector<1x3x4096xf32>
    %get3A_3 = vector.shape_cast %get3A_2 : vector<1x3x4096xf32> to vector<3x4096xf32>
    %get3A_4 = arith.constant 0 : index
    %get3A_5 = arith.constant 0 : index
    %get3A_6 = arith.constant 0 : index
    %get3A_7 = vector.load %arg2[%get3A_4, %get3A_5, %get3A_6] : memref<1x3x256xf32, #tpu.memory_space<vmem>>, vector<1x3x256xf32>
    %get3A_8 = vector.shape_cast %get3A_7 : vector<1x3x256xf32> to vector<3x256xf32>
    %dot_general3A = arith.constant dense<0.000000e+00> : vector<256x4096xf32>
    %dot_general3A_9 = tpu.matmul %get3A_8, %get3A_3, %dot_general3A {dimension_numbers = #tpu.dot_dimension_numbers<[0], [0], [1], [1], [0, 1, 1, 1], [], []>, transpose_lhs_hint = false} : vector<3x256xf32>, vector<3x4096xf32>, vector<256x4096xf32> -> vector<256x4096xf32>
    %slice3A = vector.extract_strided_slice %get3A_8 {offsets = [0, 0], sizes = [1, 256], strides = [1, 1]} : vector<3x256xf32> to vector<1x256xf32>
    %squeeze3A = vector.shape_cast %slice3A : vector<1x256xf32> to vector<256xf32>
    %slice3A_10 = vector.extract_strided_slice %get3A_8 {offsets = [0, 0], sizes = [1, 256], strides = [1, 1]} : vector<3x256xf32> to vector<1x256xf32>
    %squeeze3A_11 = vector.shape_cast %slice3A_10 : vector<1x256xf32> to vector<256xf32>
    %mul3A = arith.mulf %squeeze3A, %squeeze3A_11 : vector<256xf32>
    %slice3A_12 = vector.extract_strided_slice %get3A_8 {offsets = [1, 0], sizes = [1, 256], strides = [1, 1]} : vector<3x256xf32> to vector<1x256xf32>
    %squeeze3A_13 = vector.shape_cast %slice3A_12 : vector<1x256xf32> to vector<256xf32>
    %slice3A_14 = vector.extract_strided_slice %get3A_8 {offsets = [1, 0], sizes = [1, 256], strides = [1, 1]} : vector<3x256xf32> to vector<1x256xf32>
    %squeeze3A_15 = vector.shape_cast %slice3A_14 : vector<1x256xf32> to vector<256xf32>
    %mul3A_16 = arith.mulf %squeeze3A_13, %squeeze3A_15 : vector<256xf32>
    %add3A = arith.addf %mul3A, %mul3A_16 : vector<256xf32>
    %slice3A_17 = vector.extract_strided_slice %get3A_8 {offsets = [2, 0], sizes = [1, 256], strides = [1, 1]} : vector<3x256xf32> to vector<1x256xf32>
    %squeeze3A_18 = vector.shape_cast %slice3A_17 : vector<1x256xf32> to vector<256xf32>
    %slice3A_19 = vector.extract_strided_slice %get3A_8 {offsets = [2, 0], sizes = [1, 256], strides = [1, 1]} : vector<3x256xf32> to vector<1x256xf32>
    %squeeze3A_20 = vector.shape_cast %slice3A_19 : vector<1x256xf32> to vector<256xf32>
    %mul3A_21 = arith.mulf %squeeze3A_18, %squeeze3A_20 : vector<256xf32>
    %add3A_22 = arith.addf %add3A, %mul3A_21 : vector<256xf32>
    %broadcast_in_dim3A = vector.shape_cast %add3A_22 : vector<256xf32> to vector<256x1xf32>
    %slice3A_23 = vector.extract_strided_slice %get3A_3 {offsets = [0, 0], sizes = [1, 4096], strides = [1, 1]} : vector<3x4096xf32> to vector<1x4096xf32>
    %squeeze3A_24 = vector.shape_cast %slice3A_23 : vector<1x4096xf32> to vector<4096xf32>
    %slice3A_25 = vector.extract_strided_slice %get3A_3 {offsets = [0, 0], sizes = [1, 4096], strides = [1, 1]} : vector<3x4096xf32> to vector<1x4096xf32>
    %squeeze3A_26 = vector.shape_cast %slice3A_25 : vector<1x4096xf32> to vector<4096xf32>
    %mul3A_27 = arith.mulf %squeeze3A_24, %squeeze3A_26 : vector<4096xf32>
    %slice3A_28 = vector.extract_strided_slice %get3A_3 {offsets = [1, 0], sizes = [1, 4096], strides = [1, 1]} : vector<3x4096xf32> to vector<1x4096xf32>
    %squeeze3A_29 = vector.shape_cast %slice3A_28 : vector<1x4096xf32> to vector<4096xf32>
    %slice3A_30 = vector.extract_strided_slice %get3A_3 {offsets = [1, 0], sizes = [1, 4096], strides = [1, 1]} : vector<3x4096xf32> to vector<1x4096xf32>
    %squeeze3A_31 = vector.shape_cast %slice3A_30 : vector<1x4096xf32> to vector<4096xf32>
    %mul3A_32 = arith.mulf %squeeze3A_29, %squeeze3A_31 : vector<4096xf32>
    %add3A_33 = arith.addf %mul3A_27, %mul3A_32 : vector<4096xf32>
    %slice3A_34 = vector.extract_strided_slice %get3A_3 {offsets = [2, 0], sizes = [1, 4096], strides = [1, 1]} : vector<3x4096xf32> to vector<1x4096xf32>
    %squeeze3A_35 = vector.shape_cast %slice3A_34 : vector<1x4096xf32> to vector<4096xf32>
    %slice3A_36 = vector.extract_strided_slice %get3A_3 {offsets = [2, 0], sizes = [1, 4096], strides = [1, 1]} : vector<3x4096xf32> to vector<1x4096xf32>
    %squeeze3A_37 = vector.shape_cast %slice3A_36 : vector<1x4096xf32> to vector<4096xf32>
    %mul3A_38 = arith.mulf %squeeze3A_35, %squeeze3A_37 : vector<4096xf32>
    %add3A_39 = arith.addf %add3A_33, %mul3A_38 : vector<4096xf32>
    %broadcast_in_dim3A_40 = vector.shape_cast %add3A_39 : vector<4096xf32> to vector<1x4096xf32>
    %mul3A_41 = arith.constant -2.000000e+00 : f32
    %mul3A_42 = vector.broadcast %mul3A_41 : f32 to vector<256x4096xf32>
    %mul3A_43 = arith.mulf %mul3A_42, %dot_general3A_9 : vector<256x4096xf32>
    %add3A_44 = vector.broadcast %broadcast_in_dim3A : vector<256x1xf32> to vector<256x4096xf32>
    %add3A_45 = arith.addf %mul3A_43, %add3A_44 : vector<256x4096xf32>
    %add3A_46 = vector.broadcast %broadcast_in_dim3A_40 : vector<1x4096xf32> to vector<256x4096xf32>
    %add3A_47 = arith.addf %add3A_45, %add3A_46 : vector<256x4096xf32>
    %swap3A = arith.constant 0 : index
    %swap3A_48 = arith.constant 0 : index
    %swap3A_49 = vector.load %arg4[%swap3A, %swap3A_48] : memref<256x4096xf32, #tpu.memory_space<vmem>>, vector<256x4096xf32>
    tpu.vector_store %arg4[%swap3A, %swap3A_48], %add3A_47 {strides = array<i32>} : memref<256x4096xf32, #tpu.memory_space<vmem>>, vector<256x4096xf32>,
    %iota3A = tpu.iota {dimensions = array<i32: 1>} : vector<256x4096xi32>
    %mul3A_50 = arith.constant 4096 : i32
    %mul3A_51 = arith.muli %arg0, %mul3A_50 : i32
    %scan3A = arith.constant 0 : i32
    %scan3A_52 = arith.constant 32 : i32
    %scan3A_53 = arith.addi %scan3A, %scan3A_52 : i32
    %scan3A_54 = arith.constant 1 : i32
    scf.for %scan3A_56 = %scan3A to %scan3A_53 step %scan3A_54  : i32 {
      %get3A_57 = arith.constant 0 : index
      %get3A_58 = arith.constant 0 : index
      %get3A_59 = vector.load %arg4[%get3A_57, %get3A_58] : memref<256x4096xf32, #tpu.memory_space<vmem>>, vector<256x4096xf32>
      %argmin3A = tpu.reduce_index %get3A_59 {axis = 1 : i32, kind = #tpu.reduction_kind<arg_min>} : vector<256x4096xf32> -> vector<256xi32>
      %add3A_60 = vector.broadcast %mul3A_51 : i32 to vector<256xi32>
      %add3A_61 = arith.addi %argmin3A, %add3A_60 : vector<256xi32>
      %broadcast_in_dim3A_62 = vector.shape_cast %add3A_61 : vector<256xi32> to vector<1x256xi32>
      %swap3A_63 = arith.constant 0 : index
      %swap3A_64 = arith.index_cast %scan3A_56 : i32 to index
      %swap3A_65 = arith.constant 0 : index
      %swap3A_66 = vector.load %arg3[%swap3A_63, %swap3A_64, %swap3A_65] : memref<1x32x256xi32, #tpu.memory_space<vmem>>, vector<1x1x256xi32>
      %swap3A_67 = vector.shape_cast %swap3A_66 : vector<1x1x256xi32> to vector<1x256xi32>
      %swap3A_68 = vector.shape_cast %broadcast_in_dim3A_62 : vector<1x256xi32> to vector<1x1x256xi32>
      tpu.vector_store %arg3[%swap3A_63, %swap3A_64, %swap3A_65], %swap3A_68 {strides = array<i32>} : memref<1x32x256xi32, #tpu.memory_space<vmem>>, vector<1x1x256xi32>,
      %broadcast_in_dim3A_69 = vector.shape_cast %argmin3A : vector<256xi32> to vector<256x1xi32>
      %eq3A = vector.broadcast %broadcast_in_dim3A_69 : vector<256x1xi32> to vector<256x4096xi32>
      %eq3A_70 = arith.cmpi eq, %iota3A, %eq3A : vector<256x4096xi32>
      %jit3A = arith.constant 0x7F800000 : f32
      %broadcast_in_dim3A_71 = vector.broadcast %jit3A : f32 to vector<256x4096xf32>
      %select_n3A = arith.select %eq3A_70, %broadcast_in_dim3A_71, %get3A_59 : vector<256x4096xi1>, vector<256x4096xf32>
      %swap3A_72 = arith.constant 0 : index
      %swap3A_73 = arith.constant 0 : index
      %swap3A_74 = vector.load %arg4[%swap3A_72, %swap3A_73] : memref<256x4096xf32, #tpu.memory_space<vmem>>, vector<256x4096xf32>
      tpu.vector_store %arg4[%swap3A_72, %swap3A_73], %select_n3A {strides = array<i32>} : memref<256x4096xf32, #tpu.memory_space<vmem>>, vector<256x4096xf32>,
    }
    %scan3A_55 = arith.constant 32 : i32
    return
  }
  func.func @transform_0(%arg0: i32) -> (i32, i32, i32) {
    %c0_i32 = arith.constant 0 : i32
    %c0_i32_0 = arith.constant 0 : i32
    %c0_i32_1 = arith.constant 0 : i32
    return %arg0, %c0_i32, %c0_i32_0 : i32, i32, i32
  }
  func.func @transform_1(%arg0: i32) -> (i32, i32, i32) {
    %c0_i32 = arith.constant 0 : i32
    %c0_i32_0 = arith.constant 0 : i32
    %c0_i32_1 = arith.constant 0 : i32
    return %arg0, %c0_i32, %c0_i32_0 : i32, i32, i32
  }
  func.func @transform_2(%arg0: i32) -> (i32, i32, i32) {
    %c0_i32 = arith.constant 0 : i32
    %c0_i32_0 = arith.constant 0 : i32
    %c0_i32_1 = arith.constant 0 : i32
    return %arg0, %c0_i32, %c0_i32_0 : i32, i32, i32
  }
}

module attributes {stable_mosaic.version = 14 : i64} {
  func.func @_fps_body(%arg0: memref<3x4x4096xf32, #tpu.memory_space<vmem>>, %arg1: memref<256x4xf32, #tpu.memory_space<vmem>>, %arg2: memref<256x4xf32, #tpu.memory_space<vmem>>, %arg3: memref<256x4xf32, #tpu.memory_space<vmem>>, %arg4: memref<4x4096xf32, #tpu.memory_space<vmem>>) attributes {dimension_semantics = [], scalar_prefetch = 0 : i64, scratch_operands = 1 : i64, tpu.core_type = #tpu.core_type<tc>} {
    %get3A = arith.constant 0 : index
    %get3A_0 = arith.constant 0 : index
    %get3A_1 = arith.constant 0 : index
    %get3A_2 = vector.load %arg0[%get3A, %get3A_0, %get3A_1] : memref<3x4x4096xf32, #tpu.memory_space<vmem>>, vector<1x4x4096xf32>
    %get3A_3 = vector.shape_cast %get3A_2 : vector<1x4x4096xf32> to vector<4x4096xf32>
    %get3A_4 = arith.constant 1 : index
    %get3A_5 = arith.constant 0 : index
    %get3A_6 = arith.constant 0 : index
    %get3A_7 = vector.load %arg0[%get3A_4, %get3A_5, %get3A_6] : memref<3x4x4096xf32, #tpu.memory_space<vmem>>, vector<1x4x4096xf32>
    %get3A_8 = vector.shape_cast %get3A_7 : vector<1x4x4096xf32> to vector<4x4096xf32>
    %get3A_9 = arith.constant 2 : index
    %get3A_10 = arith.constant 0 : index
    %get3A_11 = arith.constant 0 : index
    %get3A_12 = vector.load %arg0[%get3A_9, %get3A_10, %get3A_11] : memref<3x4x4096xf32, #tpu.memory_space<vmem>>, vector<1x4x4096xf32>
    %get3A_13 = vector.shape_cast %get3A_12 : vector<1x4x4096xf32> to vector<4x4096xf32>
    %broadcast_in_dim3A = arith.constant 1.000000e+10 : f32
    %broadcast_in_dim3A_14 = vector.broadcast %broadcast_in_dim3A : f32 to vector<4x4096xf32>
    %swap3A = arith.constant 0 : index
    %swap3A_15 = arith.constant 0 : index
    %swap3A_16 = vector.load %arg4[%swap3A, %swap3A_15] : memref<4x4096xf32, #tpu.memory_space<vmem>>, vector<4x4096xf32>
    tpu.vector_store %arg4[%swap3A, %swap3A_15], %broadcast_in_dim3A_14 {strides = array<i32>} : memref<4x4096xf32, #tpu.memory_space<vmem>>, vector<4x4096xf32>,
    %iota3A = tpu.iota {dimensions = array<i32: 1>} : vector<4x4096xi32>
    %broadcast_in_dim3A_17 = arith.constant 0 : i32
    %broadcast_in_dim3A_18 = vector.broadcast %broadcast_in_dim3A_17 : i32 to vector<4x1xi32>
    %scan3A = arith.constant 0 : i32
    %scan3A_19 = arith.constant 256 : i32
    %scan3A_20 = arith.addi %scan3A, %scan3A_19 : i32
    %scan3A_21 = arith.constant 1 : i32
    %scan3A_22 = scf.for %scan3A_24 = %scan3A to %scan3A_20 step %scan3A_21 iter_args(%scan3A_25 = %broadcast_in_dim3A_18) -> (vector<4x1xi32>)  : i32 {
      %eq3A = vector.broadcast %scan3A_25 : vector<4x1xi32> to vector<4x4096xi32>
      %eq3A_26 = arith.cmpi eq, %iota3A, %eq3A : vector<4x4096xi32>
      %jit3A = arith.constant 0.000000e+00 : f32
      %broadcast_in_dim3A_27 = vector.broadcast %jit3A : f32 to vector<4x4096xf32>
      %select_n3A = arith.select %eq3A_26, %get3A_3, %broadcast_in_dim3A_27 : vector<4x4096xi1>, vector<4x4096xf32>
      %reduce_sum3A = arith.constant dense<0.000000e+00> : vector<4xf32>
      %reduce_sum3A_28 = vector.multi_reduction <add>, %select_n3A, %reduce_sum3A [1] : vector<4x4096xf32> to vector<4xf32>
      %broadcast_in_dim3A_29 = vector.shape_cast %reduce_sum3A_28 : vector<4xf32> to vector<4x1xf32>
      %jit3A_30 = arith.constant 0.000000e+00 : f32
      %broadcast_in_dim3A_31 = vector.broadcast %jit3A_30 : f32 to vector<4x4096xf32>
      %select_n3A_32 = arith.select %eq3A_26, %get3A_8, %broadcast_in_dim3A_31 : vector<4x4096xi1>, vector<4x4096xf32>
      %reduce_sum3A_33 = arith.constant dense<0.000000e+00> : vector<4xf32>
      %reduce_sum3A_34 = vector.multi_reduction <add>, %select_n3A_32, %reduce_sum3A_33 [1] : vector<4x4096xf32> to vector<4xf32>
      %broadcast_in_dim3A_35 = vector.shape_cast %reduce_sum3A_34 : vector<4xf32> to vector<4x1xf32>
      %jit3A_36 = arith.constant 0.000000e+00 : f32
      %broadcast_in_dim3A_37 = vector.broadcast %jit3A_36 : f32 to vector<4x4096xf32>
      %select_n3A_38 = arith.select %eq3A_26, %get3A_13, %broadcast_in_dim3A_37 : vector<4x4096xi1>, vector<4x4096xf32>
      %reduce_sum3A_39 = arith.constant dense<0.000000e+00> : vector<4xf32>
      %reduce_sum3A_40 = vector.multi_reduction <add>, %select_n3A_38, %reduce_sum3A_39 [1] : vector<4x4096xf32> to vector<4xf32>
      %broadcast_in_dim3A_41 = vector.shape_cast %reduce_sum3A_40 : vector<4xf32> to vector<4x1xf32>
      %transpose3A = tpu.transpose %broadcast_in_dim3A_29, [1, 0] : vector<4x1xf32> -> vector<1x4xf32>
      %swap3A_42 = arith.index_cast %scan3A_24 : i32 to index
      %swap3A_43 = arith.constant 0 : index
      %swap3A_44 = vector.load %arg1[%swap3A_42, %swap3A_43] : memref<256x4xf32, #tpu.memory_space<vmem>>, vector<1x4xf32>
      tpu.vector_store %arg1[%swap3A_42, %swap3A_43], %transpose3A {strides = array<i32>} : memref<256x4xf32, #tpu.memory_space<vmem>>, vector<1x4xf32>,
      %transpose3A_45 = tpu.transpose %broadcast_in_dim3A_35, [1, 0] : vector<4x1xf32> -> vector<1x4xf32>
      %swap3A_46 = arith.index_cast %scan3A_24 : i32 to index
      %swap3A_47 = arith.constant 0 : index
      %swap3A_48 = vector.load %arg2[%swap3A_46, %swap3A_47] : memref<256x4xf32, #tpu.memory_space<vmem>>, vector<1x4xf32>
      tpu.vector_store %arg2[%swap3A_46, %swap3A_47], %transpose3A_45 {strides = array<i32>} : memref<256x4xf32, #tpu.memory_space<vmem>>, vector<1x4xf32>,
      %transpose3A_49 = tpu.transpose %broadcast_in_dim3A_41, [1, 0] : vector<4x1xf32> -> vector<1x4xf32>
      %swap3A_50 = arith.index_cast %scan3A_24 : i32 to index
      %swap3A_51 = arith.constant 0 : index
      %swap3A_52 = vector.load %arg3[%swap3A_50, %swap3A_51] : memref<256x4xf32, #tpu.memory_space<vmem>>, vector<1x4xf32>
      tpu.vector_store %arg3[%swap3A_50, %swap3A_51], %transpose3A_49 {strides = array<i32>} : memref<256x4xf32, #tpu.memory_space<vmem>>, vector<1x4xf32>,
      %sub3A = vector.broadcast %broadcast_in_dim3A_29 : vector<4x1xf32> to vector<4x4096xf32>
      %sub3A_53 = arith.subf %get3A_3, %sub3A : vector<4x4096xf32>
      %sub3A_54 = vector.broadcast %broadcast_in_dim3A_35 : vector<4x1xf32> to vector<4x4096xf32>
      %sub3A_55 = arith.subf %get3A_8, %sub3A_54 : vector<4x4096xf32>
      %sub3A_56 = vector.broadcast %broadcast_in_dim3A_41 : vector<4x1xf32> to vector<4x4096xf32>
      %sub3A_57 = arith.subf %get3A_13, %sub3A_56 : vector<4x4096xf32>
      %mul3A = arith.mulf %sub3A_53, %sub3A_53 : vector<4x4096xf32>
      %mul3A_58 = arith.mulf %sub3A_55, %sub3A_55 : vector<4x4096xf32>
      %add3A = arith.addf %mul3A, %mul3A_58 : vector<4x4096xf32>
      %mul3A_59 = arith.mulf %sub3A_57, %sub3A_57 : vector<4x4096xf32>
      %add3A_60 = arith.addf %add3A, %mul3A_59 : vector<4x4096xf32>
      %get3A_61 = arith.constant 0 : index
      %get3A_62 = arith.constant 0 : index
      %get3A_63 = vector.load %arg4[%get3A_61, %get3A_62] : memref<4x4096xf32, #tpu.memory_space<vmem>>, vector<4x4096xf32>
      %min3A = arith.minimumf %get3A_63, %add3A_60 : vector<4x4096xf32>
      %swap3A_64 = arith.constant 0 : index
      %swap3A_65 = arith.constant 0 : index
      %swap3A_66 = vector.load %arg4[%swap3A_64, %swap3A_65] : memref<4x4096xf32, #tpu.memory_space<vmem>>, vector<4x4096xf32>
      tpu.vector_store %arg4[%swap3A_64, %swap3A_65], %min3A {strides = array<i32>} : memref<4x4096xf32, #tpu.memory_space<vmem>>, vector<4x4096xf32>,
      %argmax3A = tpu.reduce_index %min3A {axis = 1 : i32, kind = #tpu.reduction_kind<arg_max>} : vector<4x4096xf32> -> vector<4xi32>
      %broadcast_in_dim3A_67 = vector.shape_cast %argmax3A : vector<4xi32> to vector<4x1xi32>
      scf.yield %broadcast_in_dim3A_67 : vector<4x1xi32>
    }
    %scan3A_23 = arith.constant 256 : i32
    return
  }
}

module attributes {stable_mosaic.version = 14 : i64} {
  func.func @_feat_body(%arg0: i32, %arg1: i32, %arg2: memref<1x512x64xf32, #tpu.memory_space<vmem>>, %arg3: memref<1x512x3xf32, #tpu.memory_space<vmem>>, %arg4: memref<1x512x128xf32, #tpu.memory_space<vmem>>) attributes {dimension_semantics = [#tpu.dimension_semantics<arbitrary>, #tpu.dimension_semantics<arbitrary>], iteration_bounds = array<i64: 4, 8>, scalar_prefetch = 0 : i64, scratch_operands = 0 : i64, tpu.core_type = #tpu.core_type<tc>, window_params = [{transform_indices = @transform_0, window_bounds = array<i64: 1, 512, 64>}, {transform_indices = @transform_1, window_bounds = array<i64: 1, 512, 3>}, {transform_indices = @transform_2, window_bounds = array<i64: 1, 512, 128>}]} {
    %get3A = arith.constant 0 : index
    %get3A_0 = arith.constant 0 : index
    %get3A_1 = arith.constant 0 : index
    %get3A_2 = vector.load %arg2[%get3A, %get3A_0, %get3A_1] : memref<1x512x64xf32, #tpu.memory_space<vmem>>, vector<1x512x64xf32>
    %get3A_3 = vector.shape_cast %get3A_2 : vector<1x512x64xf32> to vector<512x64xf32>
    %get3A_4 = arith.constant 0 : index
    %get3A_5 = arith.constant 0 : index
    %get3A_6 = arith.constant 0 : index
    %get3A_7 = vector.load %arg3[%get3A_4, %get3A_5, %get3A_6] : memref<1x512x3xf32, #tpu.memory_space<vmem>>, vector<1x512x3xf32>
    %get3A_8 = vector.shape_cast %get3A_7 : vector<1x512x3xf32> to vector<512x3xf32>
    %mul3A = arith.constant 1.000000e+00 : f32
    %mul3A_9 = vector.broadcast %mul3A : f32 to vector<512x3xf32>
    %mul3A_10 = arith.mulf %mul3A_9, %get3A_8 : vector<512x3xf32>
    %sin3A = math.sin %mul3A_10 : vector<512x3xf32>
    %mul3A_11 = arith.constant 1.000000e+00 : f32
    %mul3A_12 = vector.broadcast %mul3A_11 : f32 to vector<512x3xf32>
    %mul3A_13 = arith.mulf %mul3A_12, %get3A_8 : vector<512x3xf32>
    %cos3A = math.cos %mul3A_13 : vector<512x3xf32>
    %mul3A_14 = arith.constant 2.000000e+00 : f32
    %mul3A_15 = vector.broadcast %mul3A_14 : f32 to vector<512x3xf32>
    %mul3A_16 = arith.mulf %mul3A_15, %get3A_8 : vector<512x3xf32>
    %sin3A_17 = math.sin %mul3A_16 : vector<512x3xf32>
    %mul3A_18 = arith.constant 2.000000e+00 : f32
    %mul3A_19 = vector.broadcast %mul3A_18 : f32 to vector<512x3xf32>
    %mul3A_20 = arith.mulf %mul3A_19, %get3A_8 : vector<512x3xf32>
    %cos3A_21 = math.cos %mul3A_20 : vector<512x3xf32>
    %mul3A_22 = arith.constant 4.000000e+00 : f32
    %mul3A_23 = vector.broadcast %mul3A_22 : f32 to vector<512x3xf32>
    %mul3A_24 = arith.mulf %mul3A_23, %get3A_8 : vector<512x3xf32>
    %sin3A_25 = math.sin %mul3A_24 : vector<512x3xf32>
    %mul3A_26 = arith.constant 4.000000e+00 : f32
    %mul3A_27 = vector.broadcast %mul3A_26 : f32 to vector<512x3xf32>
    %mul3A_28 = arith.mulf %mul3A_27, %get3A_8 : vector<512x3xf32>
    %cos3A_29 = math.cos %mul3A_28 : vector<512x3xf32>
    %mul3A_30 = arith.constant 8.000000e+00 : f32
    %mul3A_31 = vector.broadcast %mul3A_30 : f32 to vector<512x3xf32>
    %mul3A_32 = arith.mulf %mul3A_31, %get3A_8 : vector<512x3xf32>
    %sin3A_33 = math.sin %mul3A_32 : vector<512x3xf32>
    %mul3A_34 = arith.constant 8.000000e+00 : f32
    %mul3A_35 = vector.broadcast %mul3A_34 : f32 to vector<512x3xf32>
    %mul3A_36 = arith.mulf %mul3A_35, %get3A_8 : vector<512x3xf32>
    %cos3A_37 = math.cos %mul3A_36 : vector<512x3xf32>
    %broadcast_in_dim3A = arith.constant 0.000000e+00 : f32
    %broadcast_in_dim3A_38 = vector.broadcast %broadcast_in_dim3A : f32 to vector<512x37xf32>
    %concatenate3A = tpu.concatenate %get3A_3, %get3A_8, %sin3A, %cos3A, %sin3A_17, %cos3A_21, %sin3A_25, %cos3A_29, %sin3A_33, %cos3A_37, %broadcast_in_dim3A_38 in 1 : vector<512x64xf32>, vector<512x3xf32>, vector<512x3xf32>, vector<512x3xf32>, vector<512x3xf32>, vector<512x3xf32>, vector<512x3xf32>, vector<512x3xf32>, vector<512x3xf32>, vector<512x3xf32>, vector<512x37xf32> -> vector<512x128xf32>
    %swap3A = arith.constant 0 : index
    %swap3A_39 = arith.constant 0 : index
    %swap3A_40 = arith.constant 0 : index
    %swap3A_41 = vector.load %arg4[%swap3A, %swap3A_39, %swap3A_40] : memref<1x512x128xf32, #tpu.memory_space<vmem>>, vector<1x512x128xf32>
    %swap3A_42 = vector.shape_cast %swap3A_41 : vector<1x512x128xf32> to vector<512x128xf32>
    %swap3A_43 = vector.shape_cast %concatenate3A : vector<512x128xf32> to vector<1x512x128xf32>
    tpu.vector_store %arg4[%swap3A, %swap3A_39, %swap3A_40], %swap3A_43 {strides = array<i32>} : memref<1x512x128xf32, #tpu.memory_space<vmem>>, vector<1x512x128xf32>,
    return
  }
  func.func @transform_0(%arg0: i32, %arg1: i32) -> (i32, i32, i32) {
    %c0_i32 = arith.constant 0 : i32
    %c0_i32_0 = arith.constant 0 : i32
    return %arg0, %arg1, %c0_i32 : i32, i32, i32
  }
  func.func @transform_1(%arg0: i32, %arg1: i32) -> (i32, i32, i32) {
    %c0_i32 = arith.constant 0 : i32
    %c0_i32_0 = arith.constant 0 : i32
    return %arg0, %arg1, %c0_i32 : i32, i32, i32
  }
  func.func @transform_2(%arg0: i32, %arg1: i32) -> (i32, i32, i32) {
    %c0_i32 = arith.constant 0 : i32
    %c0_i32_0 = arith.constant 0 : i32
    return %arg0, %arg1, %c0_i32 : i32, i32, i32
  }
}

module attributes {stable_mosaic.version = 14 : i64} {
  func.func @_knn2_body(%arg0: i32, %arg1: memref<1x3x4096xf32, #tpu.memory_space<vmem>>, %arg2: memref<1x3x256xf32, #tpu.memory_space<vmem>>, %arg3: memref<1x4096x256xf32, #tpu.memory_space<vmem>>, %arg4: memref<4096x256xf32, #tpu.memory_space<vmem>>, %arg5: memref<4096x256xf32, #tpu.memory_space<vmem>>, %arg6: memref<32x4096xf32, #tpu.memory_space<vmem>>) attributes {dimension_semantics = [#tpu.dimension_semantics<arbitrary>], iteration_bounds = array<i64: 4>, scalar_prefetch = 0 : i64, scratch_operands = 3 : i64, tpu.core_type = #tpu.core_type<tc>, window_params = [{transform_indices = @transform_0, window_bounds = array<i64: 1, 3, 4096>}, {transform_indices = @transform_1, window_bounds = array<i64: 1, 3, 256>}, {transform_indices = @transform_2, window_bounds = array<i64: 1, 4096, 256>}]} {
    %get3A = arith.constant 0 : index
    %get3A_0 = arith.constant 0 : index
    %get3A_1 = arith.constant 0 : index
    %get3A_2 = vector.load %arg1[%get3A, %get3A_0, %get3A_1] : memref<1x3x4096xf32, #tpu.memory_space<vmem>>, vector<1x3x4096xf32>
    %get3A_3 = vector.shape_cast %get3A_2 : vector<1x3x4096xf32> to vector<3x4096xf32>
    %get3A_4 = arith.constant 0 : index
    %get3A_5 = arith.constant 0 : index
    %get3A_6 = arith.constant 0 : index
    %get3A_7 = vector.load %arg2[%get3A_4, %get3A_5, %get3A_6] : memref<1x3x256xf32, #tpu.memory_space<vmem>>, vector<1x3x256xf32>
    %get3A_8 = vector.shape_cast %get3A_7 : vector<1x3x256xf32> to vector<3x256xf32>
    %dot_general3A = arith.constant dense<0.000000e+00> : vector<4096x256xf32>
    %dot_general3A_9 = tpu.matmul %get3A_3, %get3A_8, %dot_general3A {dimension_numbers = #tpu.dot_dimension_numbers<[0], [0], [1], [1], [0, 1, 1, 1], [], []>, transpose_lhs_hint = false} : vector<3x4096xf32>, vector<3x256xf32>, vector<4096x256xf32> -> vector<4096x256xf32>
    %slice3A = vector.extract_strided_slice %get3A_3 {offsets = [0, 0], sizes = [1, 4096], strides = [1, 1]} : vector<3x4096xf32> to vector<1x4096xf32>
    %squeeze3A = vector.shape_cast %slice3A : vector<1x4096xf32> to vector<4096xf32>
    %slice3A_10 = vector.extract_strided_slice %get3A_3 {offsets = [0, 0], sizes = [1, 4096], strides = [1, 1]} : vector<3x4096xf32> to vector<1x4096xf32>
    %squeeze3A_11 = vector.shape_cast %slice3A_10 : vector<1x4096xf32> to vector<4096xf32>
    %mul3A = arith.mulf %squeeze3A, %squeeze3A_11 : vector<4096xf32>
    %slice3A_12 = vector.extract_strided_slice %get3A_3 {offsets = [1, 0], sizes = [1, 4096], strides = [1, 1]} : vector<3x4096xf32> to vector<1x4096xf32>
    %squeeze3A_13 = vector.shape_cast %slice3A_12 : vector<1x4096xf32> to vector<4096xf32>
    %slice3A_14 = vector.extract_strided_slice %get3A_3 {offsets = [1, 0], sizes = [1, 4096], strides = [1, 1]} : vector<3x4096xf32> to vector<1x4096xf32>
    %squeeze3A_15 = vector.shape_cast %slice3A_14 : vector<1x4096xf32> to vector<4096xf32>
    %mul3A_16 = arith.mulf %squeeze3A_13, %squeeze3A_15 : vector<4096xf32>
    %add3A = arith.addf %mul3A, %mul3A_16 : vector<4096xf32>
    %slice3A_17 = vector.extract_strided_slice %get3A_3 {offsets = [2, 0], sizes = [1, 4096], strides = [1, 1]} : vector<3x4096xf32> to vector<1x4096xf32>
    %squeeze3A_18 = vector.shape_cast %slice3A_17 : vector<1x4096xf32> to vector<4096xf32>
    %slice3A_19 = vector.extract_strided_slice %get3A_3 {offsets = [2, 0], sizes = [1, 4096], strides = [1, 1]} : vector<3x4096xf32> to vector<1x4096xf32>
    %squeeze3A_20 = vector.shape_cast %slice3A_19 : vector<1x4096xf32> to vector<4096xf32>
    %mul3A_21 = arith.mulf %squeeze3A_18, %squeeze3A_20 : vector<4096xf32>
    %add3A_22 = arith.addf %add3A, %mul3A_21 : vector<4096xf32>
    %broadcast_in_dim3A = vector.shape_cast %add3A_22 : vector<4096xf32> to vector<4096x1xf32>
    %slice3A_23 = vector.extract_strided_slice %get3A_8 {offsets = [0, 0], sizes = [1, 256], strides = [1, 1]} : vector<3x256xf32> to vector<1x256xf32>
    %squeeze3A_24 = vector.shape_cast %slice3A_23 : vector<1x256xf32> to vector<256xf32>
    %slice3A_25 = vector.extract_strided_slice %get3A_8 {offsets = [0, 0], sizes = [1, 256], strides = [1, 1]} : vector<3x256xf32> to vector<1x256xf32>
    %squeeze3A_26 = vector.shape_cast %slice3A_25 : vector<1x256xf32> to vector<256xf32>
    %mul3A_27 = arith.mulf %squeeze3A_24, %squeeze3A_26 : vector<256xf32>
    %slice3A_28 = vector.extract_strided_slice %get3A_8 {offsets = [1, 0], sizes = [1, 256], strides = [1, 1]} : vector<3x256xf32> to vector<1x256xf32>
    %squeeze3A_29 = vector.shape_cast %slice3A_28 : vector<1x256xf32> to vector<256xf32>
    %slice3A_30 = vector.extract_strided_slice %get3A_8 {offsets = [1, 0], sizes = [1, 256], strides = [1, 1]} : vector<3x256xf32> to vector<1x256xf32>
    %squeeze3A_31 = vector.shape_cast %slice3A_30 : vector<1x256xf32> to vector<256xf32>
    %mul3A_32 = arith.mulf %squeeze3A_29, %squeeze3A_31 : vector<256xf32>
    %add3A_33 = arith.addf %mul3A_27, %mul3A_32 : vector<256xf32>
    %slice3A_34 = vector.extract_strided_slice %get3A_8 {offsets = [2, 0], sizes = [1, 256], strides = [1, 1]} : vector<3x256xf32> to vector<1x256xf32>
    %squeeze3A_35 = vector.shape_cast %slice3A_34 : vector<1x256xf32> to vector<256xf32>
    %slice3A_36 = vector.extract_strided_slice %get3A_8 {offsets = [2, 0], sizes = [1, 256], strides = [1, 1]} : vector<3x256xf32> to vector<1x256xf32>
    %squeeze3A_37 = vector.shape_cast %slice3A_36 : vector<1x256xf32> to vector<256xf32>
    %mul3A_38 = arith.mulf %squeeze3A_35, %squeeze3A_37 : vector<256xf32>
    %add3A_39 = arith.addf %add3A_33, %mul3A_38 : vector<256xf32>
    %broadcast_in_dim3A_40 = vector.shape_cast %add3A_39 : vector<256xf32> to vector<1x256xf32>
    %mul3A_41 = arith.constant -2.000000e+00 : f32
    %mul3A_42 = vector.broadcast %mul3A_41 : f32 to vector<4096x256xf32>
    %mul3A_43 = arith.mulf %mul3A_42, %dot_general3A_9 : vector<4096x256xf32>
    %add3A_44 = vector.broadcast %broadcast_in_dim3A : vector<4096x1xf32> to vector<4096x256xf32>
    %add3A_45 = arith.addf %mul3A_43, %add3A_44 : vector<4096x256xf32>
    %add3A_46 = vector.broadcast %broadcast_in_dim3A_40 : vector<1x256xf32> to vector<4096x256xf32>
    %add3A_47 = arith.addf %add3A_45, %add3A_46 : vector<4096x256xf32>
    %swap3A = arith.constant 0 : index
    %swap3A_48 = arith.constant 0 : index
    %swap3A_49 = vector.load %arg5[%swap3A, %swap3A_48] : memref<4096x256xf32, #tpu.memory_space<vmem>>, vector<4096x256xf32>
    tpu.vector_store %arg5[%swap3A, %swap3A_48], %add3A_47 {strides = array<i32>} : memref<4096x256xf32, #tpu.memory_space<vmem>>, vector<4096x256xf32>,
    %swap3A_50 = arith.constant 0 : index
    %swap3A_51 = arith.constant 0 : index
    %swap3A_52 = vector.load %arg4[%swap3A_50, %swap3A_51] : memref<4096x256xf32, #tpu.memory_space<vmem>>, vector<4096x256xf32>
    tpu.vector_store %arg4[%swap3A_50, %swap3A_51], %add3A_47 {strides = array<i32>} : memref<4096x256xf32, #tpu.memory_space<vmem>>, vector<4096x256xf32>,
    %iota3A = tpu.iota {dimensions = array<i32: 1>} : vector<4096x256xi32>
    %scan3A = arith.constant 0 : i32
    %scan3A_53 = arith.constant 32 : i32
    %scan3A_54 = arith.addi %scan3A, %scan3A_53 : i32
    %scan3A_55 = arith.constant 1 : i32
    scf.for %scan3A_98 = %scan3A to %scan3A_54 step %scan3A_55  : i32 {
      %get3A_99 = arith.constant 0 : index
      %get3A_100 = arith.constant 0 : index
      %get3A_101 = vector.load %arg4[%get3A_99, %get3A_100] : memref<4096x256xf32, #tpu.memory_space<vmem>>, vector<4096x256xf32>
      %reduce_min3A = arith.constant dense<0x7F800000> : vector<4096xf32>
      %reduce_min3A_102 = vector.multi_reduction <minimumf>, %get3A_101, %reduce_min3A [1] : vector<4096x256xf32> to vector<4096xf32>
      %argmin3A = tpu.reduce_index %get3A_101 {axis = 1 : i32, kind = #tpu.reduction_kind<arg_min>} : vector<4096x256xf32> -> vector<4096xi32>
      %add3A_103 = arith.constant 9.99999974E-5 : f32
      %add3A_104 = vector.broadcast %add3A_103 : f32 to vector<4096xf32>
      %add3A_105 = arith.addf %reduce_min3A_102, %add3A_104 : vector<4096xf32>
      %div3A_106 = arith.constant 1.000000e+00 : f32
      %div3A_107 = vector.broadcast %div3A_106 : f32 to vector<4096xf32>
      %div3A_108 = arith.divf %div3A_107, %add3A_105 : vector<4096xf32>
      %broadcast_in_dim3A_109 = vector.shape_cast %div3A_108 : vector<4096xf32> to vector<1x4096xf32>
      %swap3A_110 = arith.index_cast %scan3A_98 : i32 to index
      %swap3A_111 = arith.constant 0 : index
      %swap3A_112 = vector.load %arg6[%swap3A_110, %swap3A_111] : memref<32x4096xf32, #tpu.memory_space<vmem>>, vector<1x4096xf32>
      tpu.vector_store %arg6[%swap3A_110, %swap3A_111], %broadcast_in_dim3A_109 {strides = array<i32>} : memref<32x4096xf32, #tpu.memory_space<vmem>>, vector<1x4096xf32>,
      %broadcast_in_dim3A_113 = vector.shape_cast %argmin3A : vector<4096xi32> to vector<4096x1xi32>
      %eq3A_114 = vector.broadcast %broadcast_in_dim3A_113 : vector<4096x1xi32> to vector<4096x256xi32>
      %eq3A_115 = arith.cmpi eq, %iota3A, %eq3A_114 : vector<4096x256xi32>
      %jit3A_116 = arith.constant 0x7F800000 : f32
      %broadcast_in_dim3A_117 = vector.broadcast %jit3A_116 : f32 to vector<4096x256xf32>
      %select_n3A_118 = arith.select %eq3A_115, %broadcast_in_dim3A_117, %get3A_101 : vector<4096x256xi1>, vector<4096x256xf32>
      %swap3A_119 = arith.constant 0 : index
      %swap3A_120 = arith.constant 0 : index
      %swap3A_121 = vector.load %arg4[%swap3A_119, %swap3A_120] : memref<4096x256xf32, #tpu.memory_space<vmem>>, vector<4096x256xf32>
      tpu.vector_store %arg4[%swap3A_119, %swap3A_120], %select_n3A_118 {strides = array<i32>} : memref<4096x256xf32, #tpu.memory_space<vmem>>, vector<4096x256xf32>,
    }
    %scan3A_56 = arith.constant 32 : i32
    %get3A_57 = arith.constant 0 : index
    %get3A_58 = arith.constant 0 : index
    %get3A_59 = vector.load %arg6[%get3A_57, %get3A_58] : memref<32x4096xf32, #tpu.memory_space<vmem>>, vector<32x4096xf32>
    %slice3A_60 = vector.extract_strided_slice %get3A_59 {offsets = [0, 0], sizes = [8, 4096], strides = [1, 1]} : vector<32x4096xf32> to vector<8x4096xf32>
    %slice3A_61 = vector.extract_strided_slice %get3A_59 {offsets = [8, 0], sizes = [8, 4096], strides = [1, 1]} : vector<32x4096xf32> to vector<8x4096xf32>
    %add3A_62 = arith.addf %slice3A_60, %slice3A_61 : vector<8x4096xf32>
    %slice3A_63 = vector.extract_strided_slice %get3A_59 {offsets = [16, 0], sizes = [8, 4096], strides = [1, 1]} : vector<32x4096xf32> to vector<8x4096xf32>
    %add3A_64 = arith.addf %add3A_62, %slice3A_63 : vector<8x4096xf32>
    %slice3A_65 = vector.extract_strided_slice %get3A_59 {offsets = [24, 0], sizes = [8, 4096], strides = [1, 1]} : vector<32x4096xf32> to vector<8x4096xf32>
    %add3A_66 = arith.addf %add3A_64, %slice3A_65 : vector<8x4096xf32>
    %slice3A_67 = vector.extract_strided_slice %add3A_66 {offsets = [0, 0], sizes = [4, 4096], strides = [1, 1]} : vector<8x4096xf32> to vector<4x4096xf32>
    %slice3A_68 = vector.extract_strided_slice %add3A_66 {offsets = [4, 0], sizes = [4, 4096], strides = [1, 1]} : vector<8x4096xf32> to vector<4x4096xf32>
    %add3A_69 = arith.addf %slice3A_67, %slice3A_68 : vector<4x4096xf32>
    %slice3A_70 = vector.extract_strided_slice %add3A_69 {offsets = [0, 0], sizes = [2, 4096], strides = [1, 1]} : vector<4x4096xf32> to vector<2x4096xf32>
    %slice3A_71 = vector.extract_strided_slice %add3A_69 {offsets = [2, 0], sizes = [2, 4096], strides = [1, 1]} : vector<4x4096xf32> to vector<2x4096xf32>
    %add3A_72 = arith.addf %slice3A_70, %slice3A_71 : vector<2x4096xf32>
    %slice3A_73 = vector.extract_strided_slice %add3A_72 {offsets = [0, 0], sizes = [1, 4096], strides = [1, 1]} : vector<2x4096xf32> to vector<1x4096xf32>
    %slice3A_74 = vector.extract_strided_slice %add3A_72 {offsets = [1, 0], sizes = [1, 4096], strides = [1, 1]} : vector<2x4096xf32> to vector<1x4096xf32>
    %add3A_75 = arith.addf %slice3A_73, %slice3A_74 : vector<1x4096xf32>
    %get3A_76 = arith.constant 0 : index
    %get3A_77 = arith.constant 0 : index
    %get3A_78 = vector.load %arg4[%get3A_76, %get3A_77] : memref<4096x256xf32, #tpu.memory_space<vmem>>, vector<4096x256xf32>
    %eq3A = arith.constant 0x7F800000 : f32
    %eq3A_79 = vector.broadcast %eq3A : f32 to vector<4096x256xf32>
    %eq3A_80 = arith.cmpf oeq, %get3A_78, %eq3A_79 : vector<4096x256xf32>
    %get3A_81 = arith.constant 0 : index
    %get3A_82 = arith.constant 0 : index
    %get3A_83 = vector.load %arg5[%get3A_81, %get3A_82] : memref<4096x256xf32, #tpu.memory_space<vmem>>, vector<4096x256xf32>
    %add3A_84 = arith.constant 9.99999974E-5 : f32
    %add3A_85 = vector.broadcast %add3A_84 : f32 to vector<4096x256xf32>
    %add3A_86 = arith.addf %get3A_83, %add3A_85 : vector<4096x256xf32>
    %div3A = arith.constant 1.000000e+00 : f32
    %div3A_87 = vector.broadcast %div3A : f32 to vector<4096x256xf32>
    %div3A_88 = arith.divf %div3A_87, %add3A_86 : vector<4096x256xf32>
    %jit3A = arith.constant 0.000000e+00 : f32
    %broadcast_in_dim3A_89 = vector.broadcast %jit3A : f32 to vector<4096x256xf32>
    %select_n3A = arith.select %eq3A_80, %div3A_88, %broadcast_in_dim3A_89 : vector<4096x256xi1>, vector<4096x256xf32>
    %transpose3A = tpu.transpose %add3A_75, [1, 0] : vector<1x4096xf32> -> vector<4096x1xf32>
    %div3A_90 = vector.broadcast %transpose3A : vector<4096x1xf32> to vector<4096x256xf32>
    %div3A_91 = arith.divf %select_n3A, %div3A_90 : vector<4096x256xf32>
    %swap3A_92 = arith.constant 0 : index
    %swap3A_93 = arith.constant 0 : index
    %swap3A_94 = arith.constant 0 : index
    %swap3A_95 = vector.load %arg3[%swap3A_92, %swap3A_93, %swap3A_94] : memref<1x4096x256xf32, #tpu.memory_space<vmem>>, vector<1x4096x256xf32>
    %swap3A_96 = vector.shape_cast %swap3A_95 : vector<1x4096x256xf32> to vector<4096x256xf32>
    %swap3A_97 = vector.shape_cast %div3A_91 : vector<4096x256xf32> to vector<1x4096x256xf32>
    tpu.vector_store %arg3[%swap3A_92, %swap3A_93, %swap3A_94], %swap3A_97 {strides = array<i32>} : memref<1x4096x256xf32, #tpu.memory_space<vmem>>, vector<1x4096x256xf32>,
    return
  }
  func.func @transform_0(%arg0: i32) -> (i32, i32, i32) {
    %c0_i32 = arith.constant 0 : i32
    %c0_i32_0 = arith.constant 0 : i32
    %c0_i32_1 = arith.constant 0 : i32
    return %arg0, %c0_i32, %c0_i32_0 : i32, i32, i32
  }
  func.func @transform_1(%arg0: i32) -> (i32, i32, i32) {
    %c0_i32 = arith.constant 0 : i32
    %c0_i32_0 = arith.constant 0 : i32
    %c0_i32_1 = arith.constant 0 : i32
    return %arg0, %c0_i32, %c0_i32_0 : i32, i32, i32
  }
  func.func @transform_2(%arg0: i32) -> (i32, i32, i32) {
    %c0_i32 = arith.constant 0 : i32
    %c0_i32_0 = arith.constant 0 : i32
    %c0_i32_1 = arith.constant 0 : i32
    return %arg0, %c0_i32, %c0_i32_0 : i32, i32, i32
  }
}

module attributes {stable_mosaic.version = 14 : i64} {
  func.func @_sa_body(%arg0: memref<128x256x128xf32, #tpu.memory_space<vmem>>, %arg1: memref<384x128xf32, #tpu.memory_space<vmem>>, %arg2: memref<1x384xf32, #tpu.memory_space<vmem>>, %arg3: memref<1x384xf32, #tpu.memory_space<vmem>>, %arg4: memref<1x384xf32, #tpu.memory_space<vmem>>, %arg5: memref<4x256x384xf32, #tpu.memory_space<vmem>>, %arg6: memref<4x256x384xf32, #tpu.memory_space<vmem>>) attributes {dimension_semantics = [], scalar_prefetch = 0 : i64, scratch_operands = 1 : i64, tpu.core_type = #tpu.core_type<tc>} {
    %get3A = arith.constant 0 : index
    %get3A_0 = arith.constant 0 : index
    %get3A_1 = vector.load %arg1[%get3A, %get3A_0] : memref<384x128xf32, #tpu.memory_space<vmem>>, vector<384x128xf32>
    %get3A_2 = arith.constant 0 : index
    %get3A_3 = arith.constant 0 : index
    %get3A_4 = vector.load %arg2[%get3A_2, %get3A_3] : memref<1x384xf32, #tpu.memory_space<vmem>>, vector<1x384xf32>
    %broadcast_in_dim3A = arith.constant 0.000000e+00 : f32
    %broadcast_in_dim3A_5 = vector.broadcast %broadcast_in_dim3A : f32 to vector<384xf32>
    %broadcast_in_dim3A_6 = arith.constant 0.000000e+00 : f32
    %broadcast_in_dim3A_7 = vector.broadcast %broadcast_in_dim3A_6 : f32 to vector<384xf32>
    %scan3A = arith.constant 0 : i32
    %scan3A_8 = arith.constant 128 : i32
    %scan3A_9 = arith.addi %scan3A, %scan3A_8 : i32
    %scan3A_10 = arith.constant 1 : i32
    %scan3A_11:2 = scf.for %scan3A_109 = %scan3A to %scan3A_9 step %scan3A_10 iter_args(%scan3A_110 = %broadcast_in_dim3A_5, %scan3A_111 = %broadcast_in_dim3A_7) -> (vector<384xf32>, vector<384xf32>)  : i32 {
      %jit3A = arith.constant 32 : i32
      %div3A_112 = arith.divsi %scan3A_109, %jit3A : i32
      %sign3A = arith.constant 0 : i32
      %sign3A_113 = arith.cmpi sgt, %scan3A_109, %sign3A : i32
      %sign3A_114 = arith.extui %sign3A_113 : i1 to i32
      %sign3A_115 = arith.constant 0 : i32
      %sign3A_116 = arith.cmpi slt, %scan3A_109, %sign3A_115 : i32
      %sign3A_117 = arith.extui %sign3A_116 : i1 to i32
      %sign3A_118 = arith.subi %sign3A_114, %sign3A_117 : i32
      %sign3A_119 = arith.constant 0 : i32
      %sign3A_120 = arith.cmpi sgt, %jit3A, %sign3A_119 : i32
      %sign3A_121 = arith.extui %sign3A_120 : i1 to i32
      %sign3A_122 = arith.constant 0 : i32
      %sign3A_123 = arith.cmpi slt, %jit3A, %sign3A_122 : i32
      %sign3A_124 = arith.extui %sign3A_123 : i1 to i32
      %sign3A_125 = arith.subi %sign3A_121, %sign3A_124 : i32
      %ne3A = arith.cmpi ne, %sign3A_118, %sign3A_125 : i32
      %rem3A = arith.remsi %scan3A_109, %jit3A : i32
      %ne3A_126 = arith.constant 0 : i32
      %ne3A_127 = arith.cmpi ne, %rem3A, %ne3A_126 : i32
      %and3A = arith.andi %ne3A, %ne3A_127 : i1
      %sub3A_128 = arith.constant 1 : i32
      %sub3A_129 = arith.subi %div3A_112, %sub3A_128 : i32
      %select_n3A = arith.select %and3A, %sub3A_129, %div3A_112 : i32
      %jit3A_130 = arith.constant 32 : i32
      %eq3A = arith.constant 0 : i32
      %eq3A_131 = arith.cmpi eq, %jit3A_130, %eq3A : i32
      %jit3A_132 = arith.constant 1 : i32
      %select_n3A_133 = arith.select %eq3A_131, %jit3A_132, %jit3A_130 : i32
      %rem3A_134 = arith.remsi %scan3A_109, %select_n3A_133 : i32
      %ne3A_135 = arith.constant 0 : i32
      %ne3A_136 = arith.cmpi ne, %rem3A_134, %ne3A_135 : i32
      %lt3A = arith.constant 0 : i32
      %lt3A_137 = arith.cmpi slt, %rem3A_134, %lt3A : i32
      %lt3A_138 = arith.constant 0 : i32
      %lt3A_139 = arith.cmpi slt, %select_n3A_133, %lt3A_138 : i32
      %ne3A_140 = arith.xori %lt3A_137, %lt3A_139 : i1
      %and3A_141 = arith.andi %ne3A_140, %ne3A_136 : i1
      %add3A_142 = arith.addi %rem3A_134, %select_n3A_133 : i32
      %select_n3A_143 = arith.select %and3A_141, %add3A_142, %rem3A_134 : i32
      %get3A_144 = arith.index_cast %scan3A_109 : i32 to index
      %get3A_145 = arith.constant 0 : index
      %get3A_146 = arith.constant 0 : index
      %get3A_147 = vector.load %arg0[%get3A_144, %get3A_145, %get3A_146] : memref<128x256x128xf32, #tpu.memory_space<vmem>>, vector<1x256x128xf32>
      %get3A_148 = vector.shape_cast %get3A_147 : vector<1x256x128xf32> to vector<256x128xf32>
      %dot_general3A = arith.constant dense<0.000000e+00> : vector<256x384xf32>
      %dot_general3A_149 = tpu.matmul %get3A_148, %get3A_1, %dot_general3A {dimension_numbers = #tpu.dot_dimension_numbers<[1], [1], [0], [0], [0, 0, 1, 0], [], []>, transpose_lhs_hint = false} : vector<256x128xf32>, vector<384x128xf32>, vector<256x384xf32> -> vector<256x384xf32>
      %add3A_150 = vector.broadcast %get3A_4 : vector<1x384xf32> to vector<256x384xf32>
      %add3A_151 = arith.addf %dot_general3A_149, %add3A_150 : vector<256x384xf32>
      %reduce_sum3A = arith.constant dense<0.000000e+00> : vector<384xf32>
      %reduce_sum3A_152 = vector.multi_reduction <add>, %add3A_151, %reduce_sum3A [0] : vector<256x384xf32> to vector<384xf32>
      %add3A_153 = arith.addf %scan3A_110, %reduce_sum3A_152 : vector<384xf32>
      %mul3A_154 = arith.mulf %add3A_151, %add3A_151 : vector<256x384xf32>
      %reduce_sum3A_155 = arith.constant dense<0.000000e+00> : vector<384xf32>
      %reduce_sum3A_156 = vector.multi_reduction <add>, %mul3A_154, %reduce_sum3A_155 [0] : vector<256x384xf32> to vector<384xf32>
      %add3A_157 = arith.addf %scan3A_111, %reduce_sum3A_156 : vector<384xf32>
      %get3A_158 = arith.index_cast %select_n3A : i32 to index
      %get3A_159 = arith.constant 0 : index
      %get3A_160 = arith.constant 0 : index
      %get3A_161 = vector.load %arg6[%get3A_158, %get3A_159, %get3A_160] : memref<4x256x384xf32, #tpu.memory_space<vmem>>, vector<1x256x384xf32>
      %get3A_162 = vector.shape_cast %get3A_161 : vector<1x256x384xf32> to vector<256x384xf32>
      %eq3A_163 = arith.constant 0 : i32
      %eq3A_164 = arith.cmpi eq, %select_n3A_143, %eq3A_163 : i32
      %max3A_165 = arith.maximumf %get3A_162, %add3A_151 : vector<256x384xf32>
      %select_n3A_166 = arith.select %eq3A_164, %add3A_151, %max3A_165 : vector<256x384xf32>
      %swap3A_167 = arith.index_cast %select_n3A : i32 to index
      %swap3A_168 = arith.constant 0 : index
      %swap3A_169 = arith.constant 0 : index
      %swap3A_170 = vector.load %arg6[%swap3A_167, %swap3A_168, %swap3A_169] : memref<4x256x384xf32, #tpu.memory_space<vmem>>, vector<1x256x384xf32>
      %swap3A_171 = vector.shape_cast %swap3A_170 : vector<1x256x384xf32> to vector<256x384xf32>
      %swap3A_172 = vector.shape_cast %select_n3A_166 : vector<256x384xf32> to vector<1x256x384xf32>
      tpu.vector_store %arg6[%swap3A_167, %swap3A_168, %swap3A_169], %swap3A_172 {strides = array<i32>} : memref<4x256x384xf32, #tpu.memory_space<vmem>>, vector<1x256x384xf32>,
      scf.yield %add3A_153, %add3A_157 : vector<384xf32>, vector<384xf32>
    }
    %scan3A_12 = arith.constant 128 : i32
    %div3A = arith.constant 3.276800e+04 : f32
    %div3A_13 = vector.broadcast %div3A : f32 to vector<384xf32>
    %div3A_14 = arith.divf %scan3A_11#0, %div3A_13 : vector<384xf32>
    %div3A_15 = arith.constant 3.276800e+04 : f32
    %div3A_16 = vector.broadcast %div3A_15 : f32 to vector<384xf32>
    %div3A_17 = arith.divf %scan3A_11#1, %div3A_16 : vector<384xf32>
    %mul3A = arith.mulf %div3A_14, %div3A_14 : vector<384xf32>
    %sub3A = arith.subf %div3A_17, %mul3A : vector<384xf32>
    %add3A = arith.constant 9.99999974E-6 : f32
    %add3A_18 = vector.broadcast %add3A : f32 to vector<384xf32>
    %add3A_19 = arith.addf %sub3A, %add3A_18 : vector<384xf32>
    %rsqrt3A = math.rsqrt %add3A_19 : vector<384xf32>
    %get3A_20 = arith.constant 0 : index
    %get3A_21 = arith.constant 0 : index
    %get3A_22 = vector.load %arg3[%get3A_20, %get3A_21] : memref<1x384xf32, #tpu.memory_space<vmem>>, vector<1x384xf32>
    %get3A_23 = vector.shape_cast %get3A_22 : vector<1x384xf32> to vector<384xf32>
    %mul3A_24 = arith.mulf %rsqrt3A, %get3A_23 : vector<384xf32>
    %get3A_25 = arith.constant 0 : index
    %get3A_26 = arith.constant 0 : index
    %get3A_27 = vector.load %arg4[%get3A_25, %get3A_26] : memref<1x384xf32, #tpu.memory_space<vmem>>, vector<1x384xf32>
    %get3A_28 = vector.shape_cast %get3A_27 : vector<1x384xf32> to vector<384xf32>
    %mul3A_29 = arith.mulf %div3A_14, %mul3A_24 : vector<384xf32>
    %sub3A_30 = arith.subf %get3A_28, %mul3A_29 : vector<384xf32>
    %get3A_31 = arith.constant 0 : index
    %get3A_32 = arith.constant 0 : index
    %get3A_33 = arith.constant 0 : index
    %get3A_34 = vector.load %arg6[%get3A_31, %get3A_32, %get3A_33] : memref<4x256x384xf32, #tpu.memory_space<vmem>>, vector<1x256x384xf32>
    %get3A_35 = vector.shape_cast %get3A_34 : vector<1x256x384xf32> to vector<256x384xf32>
    %broadcast_in_dim3A_36 = vector.shape_cast %mul3A_24 : vector<384xf32> to vector<1x384xf32>
    %mul3A_37 = vector.broadcast %broadcast_in_dim3A_36 : vector<1x384xf32> to vector<256x384xf32>
    %mul3A_38 = arith.mulf %get3A_35, %mul3A_37 : vector<256x384xf32>
    %broadcast_in_dim3A_39 = vector.shape_cast %sub3A_30 : vector<384xf32> to vector<1x384xf32>
    %add3A_40 = vector.broadcast %broadcast_in_dim3A_39 : vector<1x384xf32> to vector<256x384xf32>
    %add3A_41 = arith.addf %mul3A_38, %add3A_40 : vector<256x384xf32>
    %max3A = arith.constant 0.000000e+00 : f32
    %max3A_42 = vector.broadcast %max3A : f32 to vector<256x384xf32>
    %max3A_43 = arith.maximumf %add3A_41, %max3A_42 : vector<256x384xf32>
    %swap3A = arith.constant 0 : index
    %swap3A_44 = arith.constant 0 : index
    %swap3A_45 = arith.constant 0 : index
    %swap3A_46 = vector.load %arg5[%swap3A, %swap3A_44, %swap3A_45] : memref<4x256x384xf32, #tpu.memory_space<vmem>>, vector<1x256x384xf32>
    %swap3A_47 = vector.shape_cast %swap3A_46 : vector<1x256x384xf32> to vector<256x384xf32>
    %swap3A_48 = vector.shape_cast %max3A_43 : vector<256x384xf32> to vector<1x256x384xf32>
    tpu.vector_store %arg5[%swap3A, %swap3A_44, %swap3A_45], %swap3A_48 {strides = array<i32>} : memref<4x256x384xf32, #tpu.memory_space<vmem>>, vector<1x256x384xf32>,
    %get3A_49 = arith.constant 1 : index
    %get3A_50 = arith.constant 0 : index
    %get3A_51 = arith.constant 0 : index
    %get3A_52 = vector.load %arg6[%get3A_49, %get3A_50, %get3A_51] : memref<4x256x384xf32, #tpu.memory_space<vmem>>, vector<1x256x384xf32>
    %get3A_53 = vector.shape_cast %get3A_52 : vector<1x256x384xf32> to vector<256x384xf32>
    %broadcast_in_dim3A_54 = vector.shape_cast %mul3A_24 : vector<384xf32> to vector<1x384xf32>
    %mul3A_55 = vector.broadcast %broadcast_in_dim3A_54 : vector<1x384xf32> to vector<256x384xf32>
    %mul3A_56 = arith.mulf %get3A_53, %mul3A_55 : vector<256x384xf32>
    %broadcast_in_dim3A_57 = vector.shape_cast %sub3A_30 : vector<384xf32> to vector<1x384xf32>
    %add3A_58 = vector.broadcast %broadcast_in_dim3A_57 : vector<1x384xf32> to vector<256x384xf32>
    %add3A_59 = arith.addf %mul3A_56, %add3A_58 : vector<256x384xf32>
    %max3A_60 = arith.constant 0.000000e+00 : f32
    %max3A_61 = vector.broadcast %max3A_60 : f32 to vector<256x384xf32>
    %max3A_62 = arith.maximumf %add3A_59, %max3A_61 : vector<256x384xf32>
    %swap3A_63 = arith.constant 1 : index
    %swap3A_64 = arith.constant 0 : index
    %swap3A_65 = arith.constant 0 : index
    %swap3A_66 = vector.load %arg5[%swap3A_63, %swap3A_64, %swap3A_65] : memref<4x256x384xf32, #tpu.memory_space<vmem>>, vector<1x256x384xf32>
    %swap3A_67 = vector.shape_cast %swap3A_66 : vector<1x256x384xf32> to vector<256x384xf32>
    %swap3A_68 = vector.shape_cast %max3A_62 : vector<256x384xf32> to vector<1x256x384xf32>
    tpu.vector_store %arg5[%swap3A_63, %swap3A_64, %swap3A_65], %swap3A_68 {strides = array<i32>} : memref<4x256x384xf32, #tpu.memory_space<vmem>>, vector<1x256x384xf32>,
    %get3A_69 = arith.constant 2 : index
    %get3A_70 = arith.constant 0 : index
    %get3A_71 = arith.constant 0 : index
    %get3A_72 = vector.load %arg6[%get3A_69, %get3A_70, %get3A_71] : memref<4x256x384xf32, #tpu.memory_space<vmem>>, vector<1x256x384xf32>
    %get3A_73 = vector.shape_cast %get3A_72 : vector<1x256x384xf32> to vector<256x384xf32>
    %broadcast_in_dim3A_74 = vector.shape_cast %mul3A_24 : vector<384xf32> to vector<1x384xf32>
    %mul3A_75 = vector.broadcast %broadcast_in_dim3A_74 : vector<1x384xf32> to vector<256x384xf32>
    %mul3A_76 = arith.mulf %get3A_73, %mul3A_75 : vector<256x384xf32>
    %broadcast_in_dim3A_77 = vector.shape_cast %sub3A_30 : vector<384xf32> to vector<1x384xf32>
    %add3A_78 = vector.broadcast %broadcast_in_dim3A_77 : vector<1x384xf32> to vector<256x384xf32>
    %add3A_79 = arith.addf %mul3A_76, %add3A_78 : vector<256x384xf32>
    %max3A_80 = arith.constant 0.000000e+00 : f32
    %max3A_81 = vector.broadcast %max3A_80 : f32 to vector<256x384xf32>
    %max3A_82 = arith.maximumf %add3A_79, %max3A_81 : vector<256x384xf32>
    %swap3A_83 = arith.constant 2 : index
    %swap3A_84 = arith.constant 0 : index
    %swap3A_85 = arith.constant 0 : index
    %swap3A_86 = vector.load %arg5[%swap3A_83, %swap3A_84, %swap3A_85] : memref<4x256x384xf32, #tpu.memory_space<vmem>>, vector<1x256x384xf32>
    %swap3A_87 = vector.shape_cast %swap3A_86 : vector<1x256x384xf32> to vector<256x384xf32>
    %swap3A_88 = vector.shape_cast %max3A_82 : vector<256x384xf32> to vector<1x256x384xf32>
    tpu.vector_store %arg5[%swap3A_83, %swap3A_84, %swap3A_85], %swap3A_88 {strides = array<i32>} : memref<4x256x384xf32, #tpu.memory_space<vmem>>, vector<1x256x384xf32>,
    %get3A_89 = arith.constant 3 : index
    %get3A_90 = arith.constant 0 : index
    %get3A_91 = arith.constant 0 : index
    %get3A_92 = vector.load %arg6[%get3A_89, %get3A_90, %get3A_91] : memref<4x256x384xf32, #tpu.memory_space<vmem>>, vector<1x256x384xf32>
    %get3A_93 = vector.shape_cast %get3A_92 : vector<1x256x384xf32> to vector<256x384xf32>
    %broadcast_in_dim3A_94 = vector.shape_cast %mul3A_24 : vector<384xf32> to vector<1x384xf32>
    %mul3A_95 = vector.broadcast %broadcast_in_dim3A_94 : vector<1x384xf32> to vector<256x384xf32>
    %mul3A_96 = arith.mulf %get3A_93, %mul3A_95 : vector<256x384xf32>
    %broadcast_in_dim3A_97 = vector.shape_cast %sub3A_30 : vector<384xf32> to vector<1x384xf32>
    %add3A_98 = vector.broadcast %broadcast_in_dim3A_97 : vector<1x384xf32> to vector<256x384xf32>
    %add3A_99 = arith.addf %mul3A_96, %add3A_98 : vector<256x384xf32>
    %max3A_100 = arith.constant 0.000000e+00 : f32
    %max3A_101 = vector.broadcast %max3A_100 : f32 to vector<256x384xf32>
    %max3A_102 = arith.maximumf %add3A_99, %max3A_101 : vector<256x384xf32>
    %swap3A_103 = arith.constant 3 : index
    %swap3A_104 = arith.constant 0 : index
    %swap3A_105 = arith.constant 0 : index
    %swap3A_106 = vector.load %arg5[%swap3A_103, %swap3A_104, %swap3A_105] : memref<4x256x384xf32, #tpu.memory_space<vmem>>, vector<1x256x384xf32>
    %swap3A_107 = vector.shape_cast %swap3A_106 : vector<1x256x384xf32> to vector<256x384xf32>
    %swap3A_108 = vector.shape_cast %max3A_102 : vector<256x384xf32> to vector<1x256x384xf32>
    tpu.vector_store %arg5[%swap3A_103, %swap3A_104, %swap3A_105], %swap3A_108 {strides = array<i32>} : memref<4x256x384xf32, #tpu.memory_space<vmem>>, vector<1x256x384xf32>,
    return
  }
}

module attributes {stable_mosaic.version = 14 : i64} {
  func.func @_fp1_body(%arg0: i32, %arg1: i32, %arg2: memref<1x512x256xf32, #tpu.memory_space<vmem>>, %arg3: memref<1x512x128xf32, #tpu.memory_space<vmem>>, %arg4: memref<1x256x384xf32, #tpu.memory_space<vmem>>, %arg5: memref<384x128xf32, #tpu.memory_space<vmem>>, %arg6: memref<384x384xf32, #tpu.memory_space<vmem>>, %arg7: memref<1x384xf32, #tpu.memory_space<vmem>>, %arg8: memref<1x512x384xf32, #tpu.memory_space<vmem>>, %arg9: memref<8x384xf32, #tpu.memory_space<vmem>>, %arg10: memref<8x384xf32, #tpu.memory_space<vmem>>) attributes {dimension_semantics = [#tpu.dimension_semantics<arbitrary>, #tpu.dimension_semantics<arbitrary>], iteration_bounds = array<i64: 4, 8>, scalar_prefetch = 0 : i64, scratch_operands = 0 : i64, tpu.core_type = #tpu.core_type<tc>, window_params = [{transform_indices = @transform_0, window_bounds = array<i64: 1, 512, 256>}, {transform_indices = @transform_1, window_bounds = array<i64: 1, 512, 128>}, {transform_indices = @transform_2, window_bounds = array<i64: 1, 256, 384>}, {pipeline_mode = #tpu.pipeline_mode<synchronous>, transform_indices = @transform_3, window_bounds = array<i64: 384, 128>}, {pipeline_mode = #tpu.pipeline_mode<synchronous>, transform_indices = @transform_4, window_bounds = array<i64: 384, 384>}, {pipeline_mode = #tpu.pipeline_mode<synchronous>, transform_indices = @transform_5, window_bounds = array<i64: 1, 384>}, {transform_indices = @transform_6, window_bounds = array<i64: 1, 512, 384>}, {pipeline_mode = #tpu.pipeline_mode<synchronous>, transform_indices = @transform_7, window_bounds = array<i64: 8, 384>}, {pipeline_mode = #tpu.pipeline_mode<synchronous>, transform_indices = @transform_8, window_bounds = array<i64: 8, 384>}]} {
    %get3A = arith.constant 0 : index
    %get3A_0 = arith.constant 0 : index
    %get3A_1 = arith.constant 0 : index
    %get3A_2 = vector.load %arg2[%get3A, %get3A_0, %get3A_1] : memref<1x512x256xf32, #tpu.memory_space<vmem>>, vector<1x512x256xf32>
    %get3A_3 = vector.shape_cast %get3A_2 : vector<1x512x256xf32> to vector<512x256xf32>
    %get3A_4 = arith.constant 0 : index
    %get3A_5 = arith.constant 0 : index
    %get3A_6 = arith.constant 0 : index
    %get3A_7 = vector.load %arg4[%get3A_4, %get3A_5, %get3A_6] : memref<1x256x384xf32, #tpu.memory_space<vmem>>, vector<1x256x384xf32>
    %get3A_8 = vector.shape_cast %get3A_7 : vector<1x256x384xf32> to vector<256x384xf32>
    %dot_general3A = arith.constant dense<0.000000e+00> : vector<512x384xf32>
    %dot_general3A_9 = tpu.matmul %get3A_3, %get3A_8, %dot_general3A {dimension_numbers = #tpu.dot_dimension_numbers<[1], [0], [0], [1], [0, 0, 1, 1], [], []>, precision = #tpu.contract_precision<fp32>, transpose_lhs_hint = false} : vector<512x256xf32>, vector<256x384xf32>, vector<512x384xf32> -> vector<512x384xf32>
    %get3A_10 = arith.constant 0 : index
    %get3A_11 = arith.constant 0 : index
    %get3A_12 = arith.constant 0 : index
    %get3A_13 = vector.load %arg3[%get3A_10, %get3A_11, %get3A_12] : memref<1x512x128xf32, #tpu.memory_space<vmem>>, vector<1x512x128xf32>
    %get3A_14 = vector.shape_cast %get3A_13 : vector<1x512x128xf32> to vector<512x128xf32>
    %get3A_15 = arith.constant 0 : index
    %get3A_16 = arith.constant 0 : index
    %get3A_17 = vector.load %arg5[%get3A_15, %get3A_16] : memref<384x128xf32, #tpu.memory_space<vmem>>, vector<384x128xf32>
    %dot_general3A_18 = arith.constant dense<0.000000e+00> : vector<512x384xf32>
    %dot_general3A_19 = tpu.matmul %get3A_14, %get3A_17, %dot_general3A_18 {dimension_numbers = #tpu.dot_dimension_numbers<[1], [1], [0], [0], [0, 0, 1, 0], [], []>, transpose_lhs_hint = false} : vector<512x128xf32>, vector<384x128xf32>, vector<512x384xf32> -> vector<512x384xf32>
    %get3A_20 = arith.constant 0 : index
    %get3A_21 = arith.constant 0 : index
    %get3A_22 = vector.load %arg6[%get3A_20, %get3A_21] : memref<384x384xf32, #tpu.memory_space<vmem>>, vector<384x384xf32>
    %dot_general3A_23 = arith.constant dense<0.000000e+00> : vector<512x384xf32>
    %dot_general3A_24 = tpu.matmul %dot_general3A_9, %get3A_22, %dot_general3A_23 {dimension_numbers = #tpu.dot_dimension_numbers<[1], [1], [0], [0], [0, 0, 1, 0], [], []>, transpose_lhs_hint = false} : vector<512x384xf32>, vector<384x384xf32>, vector<512x384xf32> -> vector<512x384xf32>
    %add3A = arith.addf %dot_general3A_19, %dot_general3A_24 : vector<512x384xf32>
    %get3A_25 = arith.constant 0 : index
    %get3A_26 = arith.constant 0 : index
    %get3A_27 = vector.load %arg7[%get3A_25, %get3A_26] : memref<1x384xf32, #tpu.memory_space<vmem>>, vector<1x384xf32>
    %add3A_28 = vector.broadcast %get3A_27 : vector<1x384xf32> to vector<512x384xf32>
    %add3A_29 = arith.addf %add3A, %add3A_28 : vector<512x384xf32>
    %swap3A = arith.constant 0 : index
    %swap3A_30 = arith.constant 0 : index
    %swap3A_31 = arith.constant 0 : index
    %swap3A_32 = vector.load %arg8[%swap3A, %swap3A_30, %swap3A_31] : memref<1x512x384xf32, #tpu.memory_space<vmem>>, vector<1x512x384xf32>
    %swap3A_33 = vector.shape_cast %swap3A_32 : vector<1x512x384xf32> to vector<512x384xf32>
    %swap3A_34 = vector.shape_cast %add3A_29 : vector<512x384xf32> to vector<1x512x384xf32>
    tpu.vector_store %arg8[%swap3A, %swap3A_30, %swap3A_31], %swap3A_34 {strides = array<i32>} : memref<1x512x384xf32, #tpu.memory_space<vmem>>, vector<1x512x384xf32>,
    %reshape3A = vector.shape_cast %add3A_29 : vector<512x384xf32> to vector<64x8x384xf32>
    %reduce_sum3A = arith.constant dense<0.000000e+00> : vector<8x384xf32>
    %reduce_sum3A_35 = vector.multi_reduction <add>, %reshape3A, %reduce_sum3A [0] : vector<64x8x384xf32> to vector<8x384xf32>
    %mul3A = arith.mulf %add3A_29, %add3A_29 : vector<512x384xf32>
    %reshape3A_36 = vector.shape_cast %mul3A : vector<512x384xf32> to vector<64x8x384xf32>
    %reduce_sum3A_37 = arith.constant dense<0.000000e+00> : vector<8x384xf32>
    %reduce_sum3A_38 = vector.multi_reduction <add>, %reshape3A_36, %reduce_sum3A_37 [0] : vector<64x8x384xf32> to vector<8x384xf32>
    %eq3A = arith.constant 0 : i32
    %eq3A_39 = arith.cmpi eq, %arg0, %eq3A : i32
    %eq3A_40 = arith.constant 0 : i32
    %eq3A_41 = arith.cmpi eq, %arg1, %eq3A_40 : i32
    %and3A = arith.andi %eq3A_39, %eq3A_41 : i1
    %convert_element_type3A = arith.extui %and3A : i1 to i32
    %cond3A = arith.constant 0 : i32
    %cond3A_42 = arith.cmpi ne, %convert_element_type3A, %cond3A : i32
    scf.if %cond3A_42 {
      %swap3A_47 = arith.constant 0 : index
      %swap3A_48 = arith.constant 0 : index
      %swap3A_49 = vector.load %arg9[%swap3A_47, %swap3A_48] : memref<8x384xf32, #tpu.memory_space<vmem>>, vector<8x384xf32>
      tpu.vector_store %arg9[%swap3A_47, %swap3A_48], %reduce_sum3A_35 {strides = array<i32>} : memref<8x384xf32, #tpu.memory_space<vmem>>, vector<8x384xf32>,
      %swap3A_50 = arith.constant 0 : index
      %swap3A_51 = arith.constant 0 : index
      %swap3A_52 = vector.load %arg10[%swap3A_50, %swap3A_51] : memref<8x384xf32, #tpu.memory_space<vmem>>, vector<8x384xf32>
      tpu.vector_store %arg10[%swap3A_50, %swap3A_51], %reduce_sum3A_38 {strides = array<i32>} : memref<8x384xf32, #tpu.memory_space<vmem>>, vector<8x384xf32>,
    } else {
    }
    %not3A = arith.constant true
    %not3A_43 = arith.xori %and3A, %not3A : i1
    %convert_element_type3A_44 = arith.extui %not3A_43 : i1 to i32
    %cond3A_45 = arith.constant 0 : i32
    %cond3A_46 = arith.cmpi ne, %convert_element_type3A_44, %cond3A_45 : i32
    scf.if %cond3A_46 {
      %get3A_47 = arith.constant 0 : index
      %get3A_48 = arith.constant 0 : index
      %get3A_49 = vector.load %arg9[%get3A_47, %get3A_48] : memref<8x384xf32, #tpu.memory_space<vmem>>, vector<8x384xf32>
      %add3A_50 = arith.addf %get3A_49, %reduce_sum3A_35 : vector<8x384xf32>
      %swap3A_51 = arith.constant 0 : index
      %swap3A_52 = arith.constant 0 : index
      %swap3A_53 = vector.load %arg9[%swap3A_51, %swap3A_52] : memref<8x384xf32, #tpu.memory_space<vmem>>, vector<8x384xf32>
      tpu.vector_store %arg9[%swap3A_51, %swap3A_52], %add3A_50 {strides = array<i32>} : memref<8x384xf32, #tpu.memory_space<vmem>>, vector<8x384xf32>,
      %get3A_54 = arith.constant 0 : index
      %get3A_55 = arith.constant 0 : index
      %get3A_56 = vector.load %arg10[%get3A_54, %get3A_55] : memref<8x384xf32, #tpu.memory_space<vmem>>, vector<8x384xf32>
      %add3A_57 = arith.addf %get3A_56, %reduce_sum3A_38 : vector<8x384xf32>
      %swap3A_58 = arith.constant 0 : index
      %swap3A_59 = arith.constant 0 : index
      %swap3A_60 = vector.load %arg10[%swap3A_58, %swap3A_59] : memref<8x384xf32, #tpu.memory_space<vmem>>, vector<8x384xf32>
      tpu.vector_store %arg10[%swap3A_58, %swap3A_59], %add3A_57 {strides = array<i32>} : memref<8x384xf32, #tpu.memory_space<vmem>>, vector<8x384xf32>,
    } else {
    }
    return
  }
  func.func @transform_0(%arg0: i32, %arg1: i32) -> (i32, i32, i32) {
    %c0_i32 = arith.constant 0 : i32
    %c0_i32_0 = arith.constant 0 : i32
    return %arg0, %arg1, %c0_i32 : i32, i32, i32
  }
  func.func @transform_1(%arg0: i32, %arg1: i32) -> (i32, i32, i32) {
    %c0_i32 = arith.constant 0 : i32
    %c0_i32_0 = arith.constant 0 : i32
    return %arg0, %arg1, %c0_i32 : i32, i32, i32
  }
  func.func @transform_2(%arg0: i32, %arg1: i32) -> (i32, i32, i32) {
    %c0_i32 = arith.constant 0 : i32
    %c0_i32_0 = arith.constant 0 : i32
    %c0_i32_1 = arith.constant 0 : i32
    return %arg0, %c0_i32, %c0_i32_0 : i32, i32, i32
  }
  func.func @transform_3(%arg0: i32, %arg1: i32) -> (i32, i32) {
    %c0_i32 = arith.constant 0 : i32
    %c0_i32_0 = arith.constant 0 : i32
    %c0_i32_1 = arith.constant 0 : i32
    return %c0_i32, %c0_i32_0 : i32, i32
  }
  func.func @transform_4(%arg0: i32, %arg1: i32) -> (i32, i32) {
    %c0_i32 = arith.constant 0 : i32
    %c0_i32_0 = arith.constant 0 : i32
    %c0_i32_1 = arith.constant 0 : i32
    return %c0_i32, %c0_i32_0 : i32, i32
  }
  func.func @transform_5(%arg0: i32, %arg1: i32) -> (i32, i32) {
    %c0_i32 = arith.constant 0 : i32
    %c0_i32_0 = arith.constant 0 : i32
    %c0_i32_1 = arith.constant 0 : i32
    return %c0_i32, %c0_i32_0 : i32, i32
  }
  func.func @transform_6(%arg0: i32, %arg1: i32) -> (i32, i32, i32) {
    %c0_i32 = arith.constant 0 : i32
    %c0_i32_0 = arith.constant 0 : i32
    return %arg0, %arg1, %c0_i32 : i32, i32, i32
  }
  func.func @transform_7(%arg0: i32, %arg1: i32) -> (i32, i32) {
    %c0_i32 = arith.constant 0 : i32
    %c0_i32_0 = arith.constant 0 : i32
    %c0_i32_1 = arith.constant 0 : i32
    return %c0_i32, %c0_i32_0 : i32, i32
  }
  func.func @transform_8(%arg0: i32, %arg1: i32) -> (i32, i32) {
    %c0_i32 = arith.constant 0 : i32
    %c0_i32_0 = arith.constant 0 : i32
    %c0_i32_1 = arith.constant 0 : i32
    return %c0_i32, %c0_i32_0 : i32, i32
  }
}

module attributes {stable_mosaic.version = 14 : i64} {
  func.func @_fp2_body(%arg0: i32, %arg1: i32, %arg2: memref<1x512x384xf32, #tpu.memory_space<vmem>>, %arg3: memref<8x384xf32, #tpu.memory_space<vmem>>, %arg4: memref<8x384xf32, #tpu.memory_space<vmem>>, %arg5: memref<1x384xf32, #tpu.memory_space<vmem>>, %arg6: memref<1x384xf32, #tpu.memory_space<vmem>>, %arg7: memref<8x384xf32, #tpu.memory_space<vmem>>, %arg8: memref<1x8xf32, #tpu.memory_space<vmem>>, %arg9: memref<1x512x8xf32, #tpu.memory_space<vmem>>, %arg10: memref<8x8xf32, #tpu.memory_space<vmem>>, %arg11: memref<8x8xf32, #tpu.memory_space<vmem>>) attributes {dimension_semantics = [#tpu.dimension_semantics<arbitrary>, #tpu.dimension_semantics<arbitrary>], iteration_bounds = array<i64: 4, 8>, scalar_prefetch = 0 : i64, scratch_operands = 0 : i64, tpu.core_type = #tpu.core_type<tc>, window_params = [{transform_indices = @transform_0, window_bounds = array<i64: 1, 512, 384>}, {pipeline_mode = #tpu.pipeline_mode<synchronous>, transform_indices = @transform_1, window_bounds = array<i64: 8, 384>}, {pipeline_mode = #tpu.pipeline_mode<synchronous>, transform_indices = @transform_2, window_bounds = array<i64: 8, 384>}, {pipeline_mode = #tpu.pipeline_mode<synchronous>, transform_indices = @transform_3, window_bounds = array<i64: 1, 384>}, {pipeline_mode = #tpu.pipeline_mode<synchronous>, transform_indices = @transform_4, window_bounds = array<i64: 1, 384>}, {pipeline_mode = #tpu.pipeline_mode<synchronous>, transform_indices = @transform_5, window_bounds = array<i64: 8, 384>}, {pipeline_mode = #tpu.pipeline_mode<synchronous>, transform_indices = @transform_6, window_bounds = array<i64: 1, 8>}, {transform_indices = @transform_7, window_bounds = array<i64: 1, 512, 8>}, {pipeline_mode = #tpu.pipeline_mode<synchronous>, transform_indices = @transform_8, window_bounds = array<i64: 8, 8>}, {pipeline_mode = #tpu.pipeline_mode<synchronous>, transform_indices = @transform_9, window_bounds = array<i64: 8, 8>}]} {
    %get3A = arith.constant 0 : index
    %get3A_0 = arith.constant 0 : index
    %get3A_1 = vector.load %arg3[%get3A, %get3A_0] : memref<8x384xf32, #tpu.memory_space<vmem>>, vector<8x384xf32>
    %reduce_sum3A = arith.constant dense<0.000000e+00> : vector<384xf32>
    %reduce_sum3A_2 = vector.multi_reduction <add>, %get3A_1, %reduce_sum3A [0] : vector<8x384xf32> to vector<384xf32>
    %div3A = arith.constant 1.638400e+04 : f32
    %div3A_3 = vector.broadcast %div3A : f32 to vector<384xf32>
    %div3A_4 = arith.divf %reduce_sum3A_2, %div3A_3 : vector<384xf32>
    %get3A_5 = arith.constant 0 : index
    %get3A_6 = arith.constant 0 : index
    %get3A_7 = vector.load %arg4[%get3A_5, %get3A_6] : memref<8x384xf32, #tpu.memory_space<vmem>>, vector<8x384xf32>
    %reduce_sum3A_8 = arith.constant dense<0.000000e+00> : vector<384xf32>
    %reduce_sum3A_9 = vector.multi_reduction <add>, %get3A_7, %reduce_sum3A_8 [0] : vector<8x384xf32> to vector<384xf32>
    %div3A_10 = arith.constant 1.638400e+04 : f32
    %div3A_11 = vector.broadcast %div3A_10 : f32 to vector<384xf32>
    %div3A_12 = arith.divf %reduce_sum3A_9, %div3A_11 : vector<384xf32>
    %mul3A = arith.mulf %div3A_4, %div3A_4 : vector<384xf32>
    %sub3A = arith.subf %div3A_12, %mul3A : vector<384xf32>
    %add3A = arith.constant 9.99999974E-6 : f32
    %add3A_13 = vector.broadcast %add3A : f32 to vector<384xf32>
    %add3A_14 = arith.addf %sub3A, %add3A_13 : vector<384xf32>
    %rsqrt3A = math.rsqrt %add3A_14 : vector<384xf32>
    %get3A_15 = arith.constant 0 : index
    %get3A_16 = arith.constant 0 : index
    %get3A_17 = vector.load %arg5[%get3A_15, %get3A_16] : memref<1x384xf32, #tpu.memory_space<vmem>>, vector<1x384xf32>
    %get3A_18 = vector.shape_cast %get3A_17 : vector<1x384xf32> to vector<384xf32>
    %mul3A_19 = arith.mulf %rsqrt3A, %get3A_18 : vector<384xf32>
    %get3A_20 = arith.constant 0 : index
    %get3A_21 = arith.constant 0 : index
    %get3A_22 = vector.load %arg6[%get3A_20, %get3A_21] : memref<1x384xf32, #tpu.memory_space<vmem>>, vector<1x384xf32>
    %get3A_23 = vector.shape_cast %get3A_22 : vector<1x384xf32> to vector<384xf32>
    %mul3A_24 = arith.mulf %div3A_4, %mul3A_19 : vector<384xf32>
    %sub3A_25 = arith.subf %get3A_23, %mul3A_24 : vector<384xf32>
    %get3A_26 = arith.constant 0 : index
    %get3A_27 = arith.constant 0 : index
    %get3A_28 = arith.constant 0 : index
    %get3A_29 = vector.load %arg2[%get3A_26, %get3A_27, %get3A_28] : memref<1x512x384xf32, #tpu.memory_space<vmem>>, vector<1x512x384xf32>
    %get3A_30 = vector.shape_cast %get3A_29 : vector<1x512x384xf32> to vector<512x384xf32>
    %broadcast_in_dim3A = vector.shape_cast %mul3A_19 : vector<384xf32> to vector<1x384xf32>
    %mul3A_31 = vector.broadcast %broadcast_in_dim3A : vector<1x384xf32> to vector<512x384xf32>
    %mul3A_32 = arith.mulf %get3A_30, %mul3A_31 : vector<512x384xf32>
    %broadcast_in_dim3A_33 = vector.shape_cast %sub3A_25 : vector<384xf32> to vector<1x384xf32>
    %add3A_34 = vector.broadcast %broadcast_in_dim3A_33 : vector<1x384xf32> to vector<512x384xf32>
    %add3A_35 = arith.addf %mul3A_32, %add3A_34 : vector<512x384xf32>
    %max3A = arith.constant 0.000000e+00 : f32
    %max3A_36 = vector.broadcast %max3A : f32 to vector<512x384xf32>
    %max3A_37 = arith.maximumf %add3A_35, %max3A_36 : vector<512x384xf32>
    %get3A_38 = arith.constant 0 : index
    %get3A_39 = arith.constant 0 : index
    %get3A_40 = vector.load %arg7[%get3A_38, %get3A_39] : memref<8x384xf32, #tpu.memory_space<vmem>>, vector<8x384xf32>
    %dot_general3A = arith.constant dense<0.000000e+00> : vector<512x8xf32>
    %dot_general3A_41 = tpu.matmul %max3A_37, %get3A_40, %dot_general3A {dimension_numbers = #tpu.dot_dimension_numbers<[1], [1], [0], [0], [0, 0, 1, 0], [], []>, transpose_lhs_hint = false} : vector<512x384xf32>, vector<8x384xf32>, vector<512x8xf32> -> vector<512x8xf32>
    %get3A_42 = arith.constant 0 : index
    %get3A_43 = arith.constant 0 : index
    %get3A_44 = vector.load %arg8[%get3A_42, %get3A_43] : memref<1x8xf32, #tpu.memory_space<vmem>>, vector<1x8xf32>
    %add3A_45 = vector.broadcast %get3A_44 : vector<1x8xf32> to vector<512x8xf32>
    %add3A_46 = arith.addf %dot_general3A_41, %add3A_45 : vector<512x8xf32>
    %swap3A = arith.constant 0 : index
    %swap3A_47 = arith.constant 0 : index
    %swap3A_48 = arith.constant 0 : index
    %swap3A_49 = vector.load %arg9[%swap3A, %swap3A_47, %swap3A_48] : memref<1x512x8xf32, #tpu.memory_space<vmem>>, vector<1x512x8xf32>
    %swap3A_50 = vector.shape_cast %swap3A_49 : vector<1x512x8xf32> to vector<512x8xf32>
    %swap3A_51 = vector.shape_cast %add3A_46 : vector<512x8xf32> to vector<1x512x8xf32>
    tpu.vector_store %arg9[%swap3A, %swap3A_47, %swap3A_48], %swap3A_51 {strides = array<i32>} : memref<1x512x8xf32, #tpu.memory_space<vmem>>, vector<1x512x8xf32>,
    %reshape3A = vector.shape_cast %add3A_46 : vector<512x8xf32> to vector<64x8x8xf32>
    %reduce_sum3A_52 = arith.constant dense<0.000000e+00> : vector<8x8xf32>
    %reduce_sum3A_53 = vector.multi_reduction <add>, %reshape3A, %reduce_sum3A_52 [0] : vector<64x8x8xf32> to vector<8x8xf32>
    %mul3A_54 = arith.mulf %add3A_46, %add3A_46 : vector<512x8xf32>
    %reshape3A_55 = vector.shape_cast %mul3A_54 : vector<512x8xf32> to vector<64x8x8xf32>
    %reduce_sum3A_56 = arith.constant dense<0.000000e+00> : vector<8x8xf32>
    %reduce_sum3A_57 = vector.multi_reduction <add>, %reshape3A_55, %reduce_sum3A_56 [0] : vector<64x8x8xf32> to vector<8x8xf32>
    %eq3A = arith.constant 0 : i32
    %eq3A_58 = arith.cmpi eq, %arg0, %eq3A : i32
    %eq3A_59 = arith.constant 0 : i32
    %eq3A_60 = arith.cmpi eq, %arg1, %eq3A_59 : i32
    %and3A = arith.andi %eq3A_58, %eq3A_60 : i1
    %convert_element_type3A = arith.extui %and3A : i1 to i32
    %cond3A = arith.constant 0 : i32
    %cond3A_61 = arith.cmpi ne, %convert_element_type3A, %cond3A : i32
    scf.if %cond3A_61 {
      %swap3A_66 = arith.constant 0 : index
      %swap3A_67 = arith.constant 0 : index
      %swap3A_68 = vector.load %arg10[%swap3A_66, %swap3A_67] : memref<8x8xf32, #tpu.memory_space<vmem>>, vector<8x8xf32>
      tpu.vector_store %arg10[%swap3A_66, %swap3A_67], %reduce_sum3A_53 {strides = array<i32>} : memref<8x8xf32, #tpu.memory_space<vmem>>, vector<8x8xf32>,
      %swap3A_69 = arith.constant 0 : index
      %swap3A_70 = arith.constant 0 : index
      %swap3A_71 = vector.load %arg11[%swap3A_69, %swap3A_70] : memref<8x8xf32, #tpu.memory_space<vmem>>, vector<8x8xf32>
      tpu.vector_store %arg11[%swap3A_69, %swap3A_70], %reduce_sum3A_57 {strides = array<i32>} : memref<8x8xf32, #tpu.memory_space<vmem>>, vector<8x8xf32>,
    } else {
    }
    %not3A = arith.constant true
    %not3A_62 = arith.xori %and3A, %not3A : i1
    %convert_element_type3A_63 = arith.extui %not3A_62 : i1 to i32
    %cond3A_64 = arith.constant 0 : i32
    %cond3A_65 = arith.cmpi ne, %convert_element_type3A_63, %cond3A_64 : i32
    scf.if %cond3A_65 {
      %get3A_66 = arith.constant 0 : index
      %get3A_67 = arith.constant 0 : index
      %get3A_68 = vector.load %arg10[%get3A_66, %get3A_67] : memref<8x8xf32, #tpu.memory_space<vmem>>, vector<8x8xf32>
      %add3A_69 = arith.addf %get3A_68, %reduce_sum3A_53 : vector<8x8xf32>
      %swap3A_70 = arith.constant 0 : index
      %swap3A_71 = arith.constant 0 : index
      %swap3A_72 = vector.load %arg10[%swap3A_70, %swap3A_71] : memref<8x8xf32, #tpu.memory_space<vmem>>, vector<8x8xf32>
      tpu.vector_store %arg10[%swap3A_70, %swap3A_71], %add3A_69 {strides = array<i32>} : memref<8x8xf32, #tpu.memory_space<vmem>>, vector<8x8xf32>,
      %get3A_73 = arith.constant 0 : index
      %get3A_74 = arith.constant 0 : index
      %get3A_75 = vector.load %arg11[%get3A_73, %get3A_74] : memref<8x8xf32, #tpu.memory_space<vmem>>, vector<8x8xf32>
      %add3A_76 = arith.addf %get3A_75, %reduce_sum3A_57 : vector<8x8xf32>
      %swap3A_77 = arith.constant 0 : index
      %swap3A_78 = arith.constant 0 : index
      %swap3A_79 = vector.load %arg11[%swap3A_77, %swap3A_78] : memref<8x8xf32, #tpu.memory_space<vmem>>, vector<8x8xf32>
      tpu.vector_store %arg11[%swap3A_77, %swap3A_78], %add3A_76 {strides = array<i32>} : memref<8x8xf32, #tpu.memory_space<vmem>>, vector<8x8xf32>,
    } else {
    }
    return
  }
  func.func @transform_0(%arg0: i32, %arg1: i32) -> (i32, i32, i32) {
    %c0_i32 = arith.constant 0 : i32
    %c0_i32_0 = arith.constant 0 : i32
    return %arg0, %arg1, %c0_i32 : i32, i32, i32
  }
  func.func @transform_1(%arg0: i32, %arg1: i32) -> (i32, i32) {
    %c0_i32 = arith.constant 0 : i32
    %c0_i32_0 = arith.constant 0 : i32
    %c0_i32_1 = arith.constant 0 : i32
    return %c0_i32, %c0_i32_0 : i32, i32
  }
  func.func @transform_2(%arg0: i32, %arg1: i32) -> (i32, i32) {
    %c0_i32 = arith.constant 0 : i32
    %c0_i32_0 = arith.constant 0 : i32
    %c0_i32_1 = arith.constant 0 : i32
    return %c0_i32, %c0_i32_0 : i32, i32
  }
  func.func @transform_3(%arg0: i32, %arg1: i32) -> (i32, i32) {
    %c0_i32 = arith.constant 0 : i32
    %c0_i32_0 = arith.constant 0 : i32
    %c0_i32_1 = arith.constant 0 : i32
    return %c0_i32, %c0_i32_0 : i32, i32
  }
  func.func @transform_4(%arg0: i32, %arg1: i32) -> (i32, i32) {
    %c0_i32 = arith.constant 0 : i32
    %c0_i32_0 = arith.constant 0 : i32
    %c0_i32_1 = arith.constant 0 : i32
    return %c0_i32, %c0_i32_0 : i32, i32
  }
  func.func @transform_5(%arg0: i32, %arg1: i32) -> (i32, i32) {
    %c0_i32 = arith.constant 0 : i32
    %c0_i32_0 = arith.constant 0 : i32
    %c0_i32_1 = arith.constant 0 : i32
    return %c0_i32, %c0_i32_0 : i32, i32
  }
  func.func @transform_6(%arg0: i32, %arg1: i32) -> (i32, i32) {
    %c0_i32 = arith.constant 0 : i32
    %c0_i32_0 = arith.constant 0 : i32
    %c0_i32_1 = arith.constant 0 : i32
    return %c0_i32, %c0_i32_0 : i32, i32
  }
  func.func @transform_7(%arg0: i32, %arg1: i32) -> (i32, i32, i32) {
    %c0_i32 = arith.constant 0 : i32
    %c0_i32_0 = arith.constant 0 : i32
    return %arg0, %arg1, %c0_i32 : i32, i32, i32
  }
  func.func @transform_8(%arg0: i32, %arg1: i32) -> (i32, i32) {
    %c0_i32 = arith.constant 0 : i32
    %c0_i32_0 = arith.constant 0 : i32
    %c0_i32_1 = arith.constant 0 : i32
    return %c0_i32, %c0_i32_0 : i32, i32
  }
  func.func @transform_9(%arg0: i32, %arg1: i32) -> (i32, i32) {
    %c0_i32 = arith.constant 0 : i32
    %c0_i32_0 = arith.constant 0 : i32
    %c0_i32_1 = arith.constant 0 : i32
    return %c0_i32, %c0_i32_0 : i32, i32
  }
}

module attributes {stable_mosaic.version = 14 : i64} {
  func.func @_fin_body(%arg0: memref<4x4096x8xf32, #tpu.memory_space<vmem>>, %arg1: memref<8x8xf32, #tpu.memory_space<vmem>>, %arg2: memref<8x8xf32, #tpu.memory_space<vmem>>, %arg3: memref<1x8xf32, #tpu.memory_space<vmem>>, %arg4: memref<1x8xf32, #tpu.memory_space<vmem>>, %arg5: memref<4x4096x3xf32, #tpu.memory_space<vmem>>) attributes {dimension_semantics = [], scalar_prefetch = 0 : i64, scratch_operands = 0 : i64, tpu.core_type = #tpu.core_type<tc>} {
    %get3A = arith.constant 0 : index
    %get3A_0 = arith.constant 0 : index
    %get3A_1 = vector.load %arg1[%get3A, %get3A_0] : memref<8x8xf32, #tpu.memory_space<vmem>>, vector<8x8xf32>
    %reduce_sum3A = arith.constant dense<0.000000e+00> : vector<8xf32>
    %reduce_sum3A_2 = vector.multi_reduction <add>, %get3A_1, %reduce_sum3A [0] : vector<8x8xf32> to vector<8xf32>
    %div3A = arith.constant 1.638400e+04 : f32
    %div3A_3 = vector.broadcast %div3A : f32 to vector<8xf32>
    %div3A_4 = arith.divf %reduce_sum3A_2, %div3A_3 : vector<8xf32>
    %get3A_5 = arith.constant 0 : index
    %get3A_6 = arith.constant 0 : index
    %get3A_7 = vector.load %arg2[%get3A_5, %get3A_6] : memref<8x8xf32, #tpu.memory_space<vmem>>, vector<8x8xf32>
    %reduce_sum3A_8 = arith.constant dense<0.000000e+00> : vector<8xf32>
    %reduce_sum3A_9 = vector.multi_reduction <add>, %get3A_7, %reduce_sum3A_8 [0] : vector<8x8xf32> to vector<8xf32>
    %div3A_10 = arith.constant 1.638400e+04 : f32
    %div3A_11 = vector.broadcast %div3A_10 : f32 to vector<8xf32>
    %div3A_12 = arith.divf %reduce_sum3A_9, %div3A_11 : vector<8xf32>
    %mul3A = arith.mulf %div3A_4, %div3A_4 : vector<8xf32>
    %sub3A = arith.subf %div3A_12, %mul3A : vector<8xf32>
    %add3A = arith.constant 9.99999974E-6 : f32
    %add3A_13 = vector.broadcast %add3A : f32 to vector<8xf32>
    %add3A_14 = arith.addf %sub3A, %add3A_13 : vector<8xf32>
    %rsqrt3A = math.rsqrt %add3A_14 : vector<8xf32>
    %get3A_15 = arith.constant 0 : index
    %get3A_16 = arith.constant 0 : index
    %get3A_17 = vector.load %arg3[%get3A_15, %get3A_16] : memref<1x8xf32, #tpu.memory_space<vmem>>, vector<1x8xf32>
    %get3A_18 = vector.shape_cast %get3A_17 : vector<1x8xf32> to vector<8xf32>
    %mul3A_19 = arith.mulf %rsqrt3A, %get3A_18 : vector<8xf32>
    %get3A_20 = arith.constant 0 : index
    %get3A_21 = arith.constant 0 : index
    %get3A_22 = vector.load %arg4[%get3A_20, %get3A_21] : memref<1x8xf32, #tpu.memory_space<vmem>>, vector<1x8xf32>
    %get3A_23 = vector.shape_cast %get3A_22 : vector<1x8xf32> to vector<8xf32>
    %mul3A_24 = arith.mulf %div3A_4, %mul3A_19 : vector<8xf32>
    %sub3A_25 = arith.subf %get3A_23, %mul3A_24 : vector<8xf32>
    %get3A_26 = arith.constant 0 : index
    %get3A_27 = arith.constant 0 : index
    %get3A_28 = arith.constant 0 : index
    %get3A_29 = vector.load %arg0[%get3A_26, %get3A_27, %get3A_28] : memref<4x4096x8xf32, #tpu.memory_space<vmem>>, vector<1x4096x8xf32>
    %get3A_30 = vector.shape_cast %get3A_29 : vector<1x4096x8xf32> to vector<4096x8xf32>
    %broadcast_in_dim3A = vector.shape_cast %mul3A_19 : vector<8xf32> to vector<1x8xf32>
    %mul3A_31 = vector.broadcast %broadcast_in_dim3A : vector<1x8xf32> to vector<4096x8xf32>
    %mul3A_32 = arith.mulf %get3A_30, %mul3A_31 : vector<4096x8xf32>
    %broadcast_in_dim3A_33 = vector.shape_cast %sub3A_25 : vector<8xf32> to vector<1x8xf32>
    %add3A_34 = vector.broadcast %broadcast_in_dim3A_33 : vector<1x8xf32> to vector<4096x8xf32>
    %add3A_35 = arith.addf %mul3A_32, %add3A_34 : vector<4096x8xf32>
    %max3A = arith.constant 0.000000e+00 : f32
    %max3A_36 = vector.broadcast %max3A : f32 to vector<4096x8xf32>
    %max3A_37 = arith.maximumf %add3A_35, %max3A_36 : vector<4096x8xf32>
    %slice3A = vector.extract_strided_slice %max3A_37 {offsets = [0, 0], sizes = [4096, 3], strides = [1, 1]} : vector<4096x8xf32> to vector<4096x3xf32>
    %swap3A = arith.constant 0 : index
    %swap3A_38 = arith.constant 0 : index
    %swap3A_39 = arith.constant 0 : index
    %swap3A_40 = vector.load %arg5[%swap3A, %swap3A_38, %swap3A_39] : memref<4x4096x3xf32, #tpu.memory_space<vmem>>, vector<1x4096x3xf32>
    %swap3A_41 = vector.shape_cast %swap3A_40 : vector<1x4096x3xf32> to vector<4096x3xf32>
    %swap3A_42 = vector.shape_cast %slice3A : vector<4096x3xf32> to vector<1x4096x3xf32>
    tpu.vector_store %arg5[%swap3A, %swap3A_38, %swap3A_39], %swap3A_42 {strides = array<i32>} : memref<4x4096x3xf32, #tpu.memory_space<vmem>>, vector<1x4096x3xf32>,
    %get3A_43 = arith.constant 1 : index
    %get3A_44 = arith.constant 0 : index
    %get3A_45 = arith.constant 0 : index
    %get3A_46 = vector.load %arg0[%get3A_43, %get3A_44, %get3A_45] : memref<4x4096x8xf32, #tpu.memory_space<vmem>>, vector<1x4096x8xf32>
    %get3A_47 = vector.shape_cast %get3A_46 : vector<1x4096x8xf32> to vector<4096x8xf32>
    %broadcast_in_dim3A_48 = vector.shape_cast %mul3A_19 : vector<8xf32> to vector<1x8xf32>
    %mul3A_49 = vector.broadcast %broadcast_in_dim3A_48 : vector<1x8xf32> to vector<4096x8xf32>
    %mul3A_50 = arith.mulf %get3A_47, %mul3A_49 : vector<4096x8xf32>
    %broadcast_in_dim3A_51 = vector.shape_cast %sub3A_25 : vector<8xf32> to vector<1x8xf32>
    %add3A_52 = vector.broadcast %broadcast_in_dim3A_51 : vector<1x8xf32> to vector<4096x8xf32>
    %add3A_53 = arith.addf %mul3A_50, %add3A_52 : vector<4096x8xf32>
    %max3A_54 = arith.constant 0.000000e+00 : f32
    %max3A_55 = vector.broadcast %max3A_54 : f32 to vector<4096x8xf32>
    %max3A_56 = arith.maximumf %add3A_53, %max3A_55 : vector<4096x8xf32>
    %slice3A_57 = vector.extract_strided_slice %max3A_56 {offsets = [0, 0], sizes = [4096, 3], strides = [1, 1]} : vector<4096x8xf32> to vector<4096x3xf32>
    %swap3A_58 = arith.constant 1 : index
    %swap3A_59 = arith.constant 0 : index
    %swap3A_60 = arith.constant 0 : index
    %swap3A_61 = vector.load %arg5[%swap3A_58, %swap3A_59, %swap3A_60] : memref<4x4096x3xf32, #tpu.memory_space<vmem>>, vector<1x4096x3xf32>
    %swap3A_62 = vector.shape_cast %swap3A_61 : vector<1x4096x3xf32> to vector<4096x3xf32>
    %swap3A_63 = vector.shape_cast %slice3A_57 : vector<4096x3xf32> to vector<1x4096x3xf32>
    tpu.vector_store %arg5[%swap3A_58, %swap3A_59, %swap3A_60], %swap3A_63 {strides = array<i32>} : memref<4x4096x3xf32, #tpu.memory_space<vmem>>, vector<1x4096x3xf32>,
    %get3A_64 = arith.constant 2 : index
    %get3A_65 = arith.constant 0 : index
    %get3A_66 = arith.constant 0 : index
    %get3A_67 = vector.load %arg0[%get3A_64, %get3A_65, %get3A_66] : memref<4x4096x8xf32, #tpu.memory_space<vmem>>, vector<1x4096x8xf32>
    %get3A_68 = vector.shape_cast %get3A_67 : vector<1x4096x8xf32> to vector<4096x8xf32>
    %broadcast_in_dim3A_69 = vector.shape_cast %mul3A_19 : vector<8xf32> to vector<1x8xf32>
    %mul3A_70 = vector.broadcast %broadcast_in_dim3A_69 : vector<1x8xf32> to vector<4096x8xf32>
    %mul3A_71 = arith.mulf %get3A_68, %mul3A_70 : vector<4096x8xf32>
    %broadcast_in_dim3A_72 = vector.shape_cast %sub3A_25 : vector<8xf32> to vector<1x8xf32>
    %add3A_73 = vector.broadcast %broadcast_in_dim3A_72 : vector<1x8xf32> to vector<4096x8xf32>
    %add3A_74 = arith.addf %mul3A_71, %add3A_73 : vector<4096x8xf32>
    %max3A_75 = arith.constant 0.000000e+00 : f32
    %max3A_76 = vector.broadcast %max3A_75 : f32 to vector<4096x8xf32>
    %max3A_77 = arith.maximumf %add3A_74, %max3A_76 : vector<4096x8xf32>
    %slice3A_78 = vector.extract_strided_slice %max3A_77 {offsets = [0, 0], sizes = [4096, 3], strides = [1, 1]} : vector<4096x8xf32> to vector<4096x3xf32>
    %swap3A_79 = arith.constant 2 : index
    %swap3A_80 = arith.constant 0 : index
    %swap3A_81 = arith.constant 0 : index
    %swap3A_82 = vector.load %arg5[%swap3A_79, %swap3A_80, %swap3A_81] : memref<4x4096x3xf32, #tpu.memory_space<vmem>>, vector<1x4096x3xf32>
    %swap3A_83 = vector.shape_cast %swap3A_82 : vector<1x4096x3xf32> to vector<4096x3xf32>
    %swap3A_84 = vector.shape_cast %slice3A_78 : vector<4096x3xf32> to vector<1x4096x3xf32>
    tpu.vector_store %arg5[%swap3A_79, %swap3A_80, %swap3A_81], %swap3A_84 {strides = array<i32>} : memref<4x4096x3xf32, #tpu.memory_space<vmem>>, vector<1x4096x3xf32>,
    %get3A_85 = arith.constant 3 : index
    %get3A_86 = arith.constant 0 : index
    %get3A_87 = arith.constant 0 : index
    %get3A_88 = vector.load %arg0[%get3A_85, %get3A_86, %get3A_87] : memref<4x4096x8xf32, #tpu.memory_space<vmem>>, vector<1x4096x8xf32>
    %get3A_89 = vector.shape_cast %get3A_88 : vector<1x4096x8xf32> to vector<4096x8xf32>
    %broadcast_in_dim3A_90 = vector.shape_cast %mul3A_19 : vector<8xf32> to vector<1x8xf32>
    %mul3A_91 = vector.broadcast %broadcast_in_dim3A_90 : vector<1x8xf32> to vector<4096x8xf32>
    %mul3A_92 = arith.mulf %get3A_89, %mul3A_91 : vector<4096x8xf32>
    %broadcast_in_dim3A_93 = vector.shape_cast %sub3A_25 : vector<8xf32> to vector<1x8xf32>
    %add3A_94 = vector.broadcast %broadcast_in_dim3A_93 : vector<1x8xf32> to vector<4096x8xf32>
    %add3A_95 = arith.addf %mul3A_92, %add3A_94 : vector<4096x8xf32>
    %max3A_96 = arith.constant 0.000000e+00 : f32
    %max3A_97 = vector.broadcast %max3A_96 : f32 to vector<4096x8xf32>
    %max3A_98 = arith.maximumf %add3A_95, %max3A_97 : vector<4096x8xf32>
    %slice3A_99 = vector.extract_strided_slice %max3A_98 {offsets = [0, 0], sizes = [4096, 3], strides = [1, 1]} : vector<4096x8xf32> to vector<4096x3xf32>
    %swap3A_100 = arith.constant 3 : index
    %swap3A_101 = arith.constant 0 : index
    %swap3A_102 = arith.constant 0 : index
    %swap3A_103 = vector.load %arg5[%swap3A_100, %swap3A_101, %swap3A_102] : memref<4x4096x3xf32, #tpu.memory_space<vmem>>, vector<1x4096x3xf32>
    %swap3A_104 = vector.shape_cast %swap3A_103 : vector<1x4096x3xf32> to vector<4096x3xf32>
    %swap3A_105 = vector.shape_cast %slice3A_99 : vector<4096x3xf32> to vector<1x4096x3xf32>
    tpu.vector_store %arg5[%swap3A_100, %swap3A_101, %swap3A_102], %swap3A_105 {strides = array<i32>} : memref<4x4096x3xf32, #tpu.memory_space<vmem>>, vector<1x4096x3xf32>,
    return
  }
}

</mosaic_0001>

<sc_bundles>
// kernel: kernel.11.cloned.1.call-start
scs
__scs_entry_jumppad:
0x0: {  	(pc) =	sbr.rel $0x88, $3  }
0x1: {  	(tag) =	ssettag $0x0;
	lr =	simm.s32 $0x1  }
0x2: {  	[smem:$0x3F93] =	sst lr;
	_ =	strace $0xD0000000  }
0x3: {  	_ = 	snop  }
0x4: {  	_ = 	snop  }
0x5: {  	_ = 	snop  }
0x6: {  	_ = 	snop  }
0x7: {  	_ = 	snop  }
__scs_overlays_trampoline_lowered:
0x8: {  	[smem:$0x3FA2] =	sst s0  }
0x9: {  	[smem:$0x3FA3] =	sst s1  }
0xa: {  	[smem:$0x3FA4] =	sst s2  }
0xb: {  	[smem:$0x3FA5] =	sst s3  }
0xc: {  	[smem:$0x3FA6] =	sst s4  }
0xd: {  	[smem:$0x3FA7] =	sst s5  }
0xe: {  	[smem:$0x3FA8] =	sst s6  }
0xf: {  	[smem:$0x3FA9] =	sst s7  }
0x10: {  	[smem:$0x3FAA] =	sst s8  }
0x11: {  	[smem:$0x3FAB] =	sst s9;
	s0 =	simm.s32 @!p0 $0x0  }
0x12: {  	s1 =	sld [smem:$0x3F91];
	s0 =	simm.s32 @p0 $0x1  }
0x13: {  	[smem:$0x3FAC] =	sst s0;
	s0 =	simm.s32 @!p1 $0x0  }
0x14: {  	s2 =	sld [smem:$0x3F90];
	s0 =	simm.s32 @p1 $0x1  }
0x15: {  	[smem:$0x3FAD] =	sst s0;
	s0 =	simm.s32 @!p2 $0x0  }
0x16: {  	s3 =	sld [smem:$0x3FDB];
	s0 =	simm.s32 @p2 $0x1  }
0x17: {  	s4 =	simm.s32 $0x1BF5;
	[smem:$0x3FAF] =	sst s0  }
0x18: {  	s0 =	sld [smem:$0x3F92];
	_ =	swait.ge [sflag:s4], $0x0  }
0x19: {  	s7 =	sld [smem:$0x3F93]  }
0x1a: {  	s8 =	sadd.s32 $0xFFFFE003, lr  }
0x1b: {  	s9 =	sadd.s32 $0xFFFFFEF7, lr;
	s5 =	simm.s32 $0xFFFFFFFF;
	p2 =	slt.u32 s8, $0xFFFFF086  }
0x1c: {  	p1 =	slt.u32 s9, $0xF7A;
	s5 =	simm.s32 @!p2 $0x0  }
0x1d: {  	s5 =	simm.s32 @p1 $0x1;
	p0 =	seq.s32 s7, s2  }
0x1e: {  	s7 =	smul.u32 @!p0 $0xF7A, s2;
	p2 =	seq.s32 @!p0 s5, $0x0  }
0x1f: {  	s9 =	smul.u32 $0xF7A, s1;
	s8 =	simm.s32 @!p0 $0x1BF5;
	p2 =	por !p2, p0  }
0x20: {  	[sflag:s8] =	ssyncset.s32 @!p0 $0xFFFFF086;
	s6 =	sadd.s32 @!p0 s3, s7;
	s7 =	simm.s32 @!p0 $0x108  }
0x21: {  	s3 =	sadd.s32 s3, s9;
	s6 =	sadd.s32 @!p0 $0x88, s6;
	s7 =	simm.s32 @p2 $0x1082  }
0x22: {  	[simem:s7], [sflag:s8] =	dma.local @!p0 [hbm:s6], $0xF7A  }
0x23: {  	s9 =	sor.u32 $0xD0000000, s2;
	s6 =	simm.s32 $0x108;
	_ =	swait.ge @!p0 [sflag:s8], $0x0  }
0x24: {  	s3 =	sadd.s32 $0x88, s3;
	s6 =	simm.s32 @!p1 $0x1082;
	[sflag:s4] =	ssyncset.s32 $0xFFFFF086  }
0x25: {  	[simem:s6], [sflag:s4] =	dma.local [hbm:s3], $0xF7A  }
0x26: {  	[smem:$0x3F93] =	sst s1;
	(tag) =	ssettag s2;
	_ =	strace s9  }
0x27: {  	s1 =	sld [smem:$0x3FA3]  }
0x28: {  	s2 =	sld [smem:$0x3FA4]  }
0x29: {  	s4 =	sld [smem:$0x3FA6]  }
0x2a: {  	p0 =	seq.s32 s5, $0x0;
	s5 =	sld [smem:$0x3FA7]  }
0x2b: {  	s6 =	sld [smem:$0x3FA8]  }
0x2c: {  	s7 =	sld [smem:$0x3FA9]  }
0x2d: {  	s3 =	simm.s32 $0x108;
	s8 =	sld [smem:$0x3FAA]  }
0x2e: {  	s3 =	simm.s32 @!p0 $0x1082;
	s9 =	sld [smem:$0x3FAB]  }
0x2f: {  	lr =	sadd.s32 s0, s3;
	s0 =	sld [smem:$0x3FA2]  }
0x30: {  	s3 =	sld [smem:$0x3FA5]  }
0x31: {  	[smem:$0x3FAE] =	sst s10  }
0x32: {  	s10 =	sld [smem:$0x3FAC];
	_ =	sdelay $0x3  }
0x33: {  	p0 =	seq.s32 s10, $0x1;
	s10 =	sld [smem:$0x3FAE];
	_ =	sdelay $0x3  }
0x34: {  	[smem:$0x3FAE] =	sst s10  }
0x35: {  	s10 =	sld [smem:$0x3FAD];
	_ =	sdelay $0x3  }
0x36: {  	p1 =	seq.s32 s10, $0x1;
	s10 =	sld [smem:$0x3FAE];
	_ =	sdelay $0x3  }
0x37: {  	[smem:$0x3FAE] =	sst s10  }
0x38: {  	s10 =	sld [smem:$0x3FAF]  }
0x39: {  	_ = 	snop;
	(pc) =	sbr.ind lr, $3  }
0x3a: {  	_ = 	snop  }
0x3b: {  	_ = 	snop  }
0x3c: {  	p2 =	seq.s32 s10, $0x1;
	s10 =	sld [smem:$0x3FAE]  }
0x3d: {  	_ =	shalt  }
0x3e: {  	_ =	shalt  }
0x3f: {  	_ =	shalt  }
0x40: {  	_ =	shalt  }
0x41: {  	_ =	shalt  }
0x42: {  	_ =	shalt  }
0x43: {  	_ =	shalt  }
0x44: {  	_ =	shalt  }
0x45: {  	_ =	shalt  }
0x46: {  	_ =	shalt  }
0x47: {  	_ =	shalt  }
0x48: {  	_ =	shalt  }
0x49: {  	_ =	shalt  }
0x4a: {  	_ =	shalt  }
0x4b: {  	_ =	shalt  }
0x4c: {  	_ =	shalt  }
0x4d: {  	_ =	shalt  }
0x4e: {  	_ =	shalt  }
0x4f: {  	_ =	shalt  }
0x50: {  	_ =	shalt  }
0x51: {  	_ =	shalt  }
0x52: {  	_ =	shalt  }
0x53: {  	_ =	shalt  }
0x54: {  	_ =	shalt  }
0x55: {  	_ =	shalt  }
0x56: {  	_ =	shalt  }
0x57: {  	_ =	shalt  }
0x58: {  	_ =	shalt  }
0x59: {  	_ =	shalt  }
0x5a: {  	_ =	shalt  }
0x5b: {  	_ =	shalt  }
0x5c: {  	_ =	shalt  }
0x5d: {  	_ =	shalt  }
0x5e: {  	_ =	shalt  }
0x5f: {  	_ =	shalt  }
0x60: {  	_ =	shalt  }
0x61: {  	_ =	shalt  }
0x62: {  	_ =	shalt  }
0x63: {  	_ =	shalt  }
0x64: {  	_ =	shalt  }
0x65: {  	_ =	shalt  }
0x66: {  	_ =	shalt  }
0x67: {  	_ =	shalt  }
0x68: {  	_ =	shalt  }
0x69: {  	_ =	shalt  }
0x6a: {  	_ =	shalt  }
0x6b: {  	_ =	shalt  }
0x6c: {  	_ =	shalt  }
0x6d: {  	_ =	shalt  }
0x6e: {  	_ =	shalt  }
0x6f: {  	_ =	shalt  }
0x70: {  	_ =	shalt  }
0x71: {  	_ =	shalt  }
0x72: {  	_ =	shalt  }
0x73: {  	_ =	shalt  }
0x74: {  	_ =	shalt  }
0x75: {  	_ =	shalt  }
0x76: {  	_ =	shalt  }
0x77: {  	_ =	shalt  }
0x78: {  	_ =	shalt  }
0x79: {  	_ =	shalt  }
0x7a: {  	_ =	shalt  }
0x7b: {  	_ =	shalt  }
0x7c: {  	_ =	shalt  }
0x7d: {  	_ =	shalt  }
0x7e: {  	_ =	shalt  }
0x7f: {  	_ =	shalt  }
0x80: {  	_ =	shalt  }
0x81: {  	_ =	shalt  }
0x82: {  	_ =	shalt  }
0x83: {  	_ =	shalt  }
0x84: {  	_ =	shalt  }
0x85: {  	_ =	shalt  }
0x86: {  	_ =	shalt  }
0x87: {  	_ =	shalt  }
.Lfunc_end0:
.L_simem_size_0:
called_computation_lowered:
.L_overlay_start_0:
0x88: {  	s2 =	sld [smem:$0x3FD9]  }
0x89: {  	s3 =	sld [smem:$0x3FFE];
	_ =	sdelay $0x1  }
0x8a: {  	s1 =	srdreg.scid  }
0x8b: {  	s0 =	sand.u32 $0x1, s1  }
0x8c: {  	s17 =	sshll.u32 s0, $0xA;
	s2 =	sadd.s32 s3, s2  }
0x8d: {  	s2 =	sadd.s32 s2, s17  }
0x8e: {  	[smem:$0x3FBA] =	sst s2  }
0x8f: {  	_ = 	snop  }
0x90: {  	s2 =	sld [smem:$0x3FD0];
	(tm) =	ssettm $0x1  }
0x91: {  	s18 =	sld [smem:$0x3FFB];
	_ =	sdelay $0x3  }
0x92: {  	_ =	strace s18  }
0x93: {  	s3 =	sld [smem:$0x3FFC];
	_ =	sdelay $0x3  }
0x94: {  	_ =	strace s3  }
0x95: {  	s3 =	sld [smem:$0x3FFD];
	_ =	sdelay $0x3  }
0x96: {  	_ =	strace s3  }
0x97: {  	_ =	strace $0x8FFFFFFF  }
0x98: {  	s19 =	sld [smem:$0x3FDB];
	_ =	sdelay $0x1  }
0x99: {  	s4 =	simm.s32 $_scs_section_size  }
0x9a: {  	s5 =	simm.s32 $_size__tile_overlayer_lowered;
	s6 =	simm.s32 $_tile_overlayer_lowered  }
0x9b: {  	s22 =	simm.s32 $0x1BFF;
	s21 =	sshll.u32 s6, $0x1;
	s3 =	sadd.s32 s4, s19  }
0x9c: {  	s7 =	simm.s32 $0x0;
	s20 =	sshll.u32 s5, $0x1;
	s5 =	sadd.s32 s21, s3  }
0x9d: {  	[timem:s7], [sflag:s22] =	dma.local [hbm:s5], s20  }
0x9e: {  	_ =	swait.ge [sflag:s22], s20  }
0x9f: {  	s4 =	ssub.s32 $0x0, s20;
	[sflag:s22] =	ssyncset.done $0x0  }
0xa0: {  	[sflag:s22] =	ssyncadd.s32 s4;
	_ =	sdelay $0x1  }
0xa1: {  	s23 =	simm.s32 $0x1B8B  }
0xa2: {  	_ =	swait.ge [sflag:s23], $0x1  }
0xa3: {  	[sflag:s23] =	ssyncset.done $0x0  }
0xa4: {  	s25 =	simm.s32 $0x1B8E;
	s24 =	sld [smem:$0x3FFE];
	[sflag:s23] =	ssyncadd.s32 $0xFFFFFFFF  }
0xa5: {  	s26 =	simm.s32 $execute0_lowered;
	[smem:$0x3FD2] =	sst s25  }
0xa6: {  	s5 =	sshll.u32 s26, $0x1;
	_ =	strace $0x80000046;
	[dreg:$0x1] =	wrdreg $0xFFFFFFFF  }
0xa7: {  	s28 =	simm.s32 $_size_execute0_lowered;
	s3 =	sadd.s32 s3, s5;
	[dreg:$0x0] =	wrdreg $0x0  }
0xa8: {  	s5 =	sshll.u32 s28, $0x1;
	[dreg:$0x2] =	wrdreg s3  }
0xa9: {  	[dreg:$0x3] =	wrdreg s5  }
0xaa: {  	[dreg:$0x4] =	wrdreg $0xC0  }
0xab: {  	_ =	task [dreg:s7], $0x5FFFF  }
0xac: {  	[dreg:$0x1] =	wrdreg $0xFFFFFFFF  }
0xad: {  	[dreg:$0x0] =	wrdreg $0x60  }
0xae: {  	[dreg:$0x2] =	wrdreg s24  }
0xaf: {  	[dreg:$0x3] =	wrdreg s2  }
0xb0: {  	[dreg:$0x4] =	wrdreg $0x9  }
0xb1: {  	_ =	task.clear_ibuf [dreg:s7], $0x5FFFF;
	_ =	strace $0x90000046  }
0xb2: {  	s29 =	simm.s32 $0x9;
	_ =	strace $0x80000048  }
0xb3: {  	_ =	swait.ge [sflag:s29], $0x1  }
0xb4: {  	[sflag:s29] =	ssyncadd.s32 $0xFFFFFFFF  }
0xb5: {  	_ =	strace $0x90000048  }
0xb6: {  	_ =	sfence  }
0xb7: {  	s30 =	sld [smem:$0x0];
	_ =	sdelay $0x2  }
0xb8: {  	s31 =	sshll.u32 s1, $0xD;
	s1 =	sshrl.u32 s1, $0x2  }
0xb9: {  	s3 =	sand.u32 $0x4000, s31;
	s1 =	sadd.s32 s1, s30  }
0xba: {  	s0 =	sor.u32 s3, s0;
	s1 =	sshll.u32 s1, $0x11  }
0xbb: {  	s0 =	sor.u32 s1, s0  }
0xbc: {  	s0 =	sadd.s32 $0x8F2B, s0  }
0xbd: {  	[sflag:s0] =	ssyncadd.remote.s32 $0x1  }
0xbe: {  	_ =	sfence.sel $0xFFFF  }
0xbf: {  	[dreg:$0x0] =	wrdreg $0xFFFFFFFF;
	(pc) =	sbr.abs _section_cstart, $3  }
0xc0: {  	[dreg:$0x1] =	wrdreg $0xFFFFFFFF  }
0xc1: {  	_ =	task.clear_ibuf [dreg:s7], $0x2FFFF;
	_ =	strace $0x9FFFFFFF  }
0xc2: {  	(tm) =	ssettm $0x7FFFFFFF  }
0xc3: {  	_ =	shalt  }
tec
execute0_lowered:
.L_overlay_start_1:
0x0: {  	(tag) =	ssettag $0x1  }
0x1: {  	s1 =	srdreg.scid  }
0x2: {  	s8 =	rddreg [dreg:$0x0];
	s0 =	stileid.u32;
	s10 =	sand.u32 $0x1, s1  }
0x3: {  	s9 =	rddreg [dreg:$0x1];
	s3 =	sshll.u32 s0, $0xB;
	s4 =	sshll.u32 s10, $0xA  }
0x4: {  	s2 =	simm.s32 $0x0;
	s1 =	rddreg [dreg:$0x2];
	s11 =	sor.u32 s4, s3  }
0x5: {  	[smem:$0x7FF] =	sst s2;
	s3 =	sshrl.u32 s11, $0x3  }
0x6: {  	_ =	strace $0x80000047;
	s4 =	sadd.s32 s9, s3;
	s3 =	simm.s32 $0x2  }
0x7: {  	[tilespmem:s2], [sflag:$0x2] =	stream.linear.gather [hbm4b:s4+s2], $0x200, $0x38;
	[tilespmem:$0x10200] =	vst v63  }
0x8: {  	_ =	swait.ge [sflag:s3], $0x200  }
0x9: {  	s6 =	simm.s32 $0x200;
	[sflag:s3] =	ssyncset.done $0x0  }
0xa: {  	s7 =	simm.s32 $0x1;
	s5 =	sadd.s32 $0x3C00, s8;
	[sflag:s3] =	ssyncadd.s32 $0xFFFFFE00  }
0xb: {  	[tilespmem:s6], [sflag:$0x1] =	stream.indirect.gather [hbm4b:s5+s6], $0x80, s2, s6, $0xb8;
	[tilespmem:$0x10200] =	vst v63  }
0xc: {  	_ =	swait.ge [sflag:s7], $0x10000  }
0xd: {  	s12 =	sadd.s32 $0x43C00, s8;
	s28 =	sshll.u32 s11, $0x4;
	[sflag:s7] =	ssyncset.done $0x0  }
0xe: {  	s8 =	sadd.s32 s12, s28;
	[sflag:s7] =	ssyncadd.s32 $0xFFFF0000  }
0xf: {  	[hbm4b:s8+s2] =	stream.linear.scatter [tilespmem:s6], [sflag:$0x2], $0x10000, $0x38;
	[tilespmem:$0x10200] =	vst v63  }
0x10: {  	s11 =	sor.u32 $0x200, s11;
	_ =	swait.ge [sflag:s3], $0x10000  }
0x11: {  	s13 =	sshrl.u32 s11, $0x3;
	[sflag:s3] =	ssyncset.done $0x0  }
0x12: {  	s10 =	ssub.s32 $0x2, s10;
	s9 =	sadd.s32 s9, s13;
	[sflag:s3] =	ssyncadd.s32 $0xFFFF0000  }
0x13: {  	[tilespmem:s2], [sflag:$0x2] =	stream.linear.gather [hbm4b:s9+s2], $0x200, $0x38;
	[tilespmem:$0x10200] =	vst v63  }
0x14: {  	s29 =	sshrl.u32 s10, $0x1;
	_ =	swait.ge [sflag:s3], $0x200  }
0x15: {  	s13 =	ssub.s32 s10, s29;
	[sflag:s3] =	ssyncset.done $0x0  }
0x16: {  	s31 =	smax.u32 s13, $0x1;
	[sflag:s3] =	ssyncadd.s32 $0xFFFFFE00  }
0x17: {  	[tilespmem:s6], [sflag:$0x1] =	stream.indirect.gather [hbm4b:s5+s6], $0x80, s2, s6, $0xb8;
	[tilespmem:$0x10200] =	vst v63  }
0x18: {  	p0 =	sne.s32 s31, $0x1;
	_ =	swait.ge [sflag:s7], $0x10000  }
.Ltmp0:
0x19: {  	s30 =	sshll.u32 s11, $0x4;
	[sflag:s7] =	ssyncset.done $0x0;
	(pc) =	sbr.rel @!p0 .LBB2_2-.Ltmp0, $4  }
0x1a: {  	s10 =	sadd.s32 s12, s30;
	[sflag:s7] =	ssyncadd.s32 $0xFFFF0000  }
0x1b: {  	[hbm4b:s10+s2] =	stream.linear.scatter [tilespmem:s6], [sflag:$0x2], $0x10000, $0x38;
	[tilespmem:$0x10200] =	vst v63  }
0x1c: {  	_ =	swait.ge [sflag:s3], $0x10000  }
0x1d: {  	s11 =	sadd.s32 $0xFFFFFFFF, s31;
	[sflag:s3] =	ssyncset.done $0x0  }
.LBB2_1:
0x1e: {  	p0 =	sne.s32 s11, $0x1;
	s11 =	sadd.s32 $0xFFFFFFFF, s11;
	[sflag:s3] =	ssyncadd.s32 $0xFFFF0000  }
0x1f: {  	[tilespmem:s2], [sflag:$0x2] =	stream.linear.gather [hbm4b:s4+s2], $0x200, $0x38;
	[tilespmem:$0x10200] =	vst v63  }
0x20: {  	_ =	swait.ge [sflag:s3], $0x200  }
0x21: {  	[sflag:s3] =	ssyncset.done $0x0  }
0x22: {  	[sflag:s3] =	ssyncadd.s32 $0xFFFFFE00  }
0x23: {  	[tilespmem:s6], [sflag:$0x1] =	stream.indirect.gather [hbm4b:s5+s6], $0x80, s2, s6, $0xb8;
	[tilespmem:$0x10200] =	vst v63  }
0x24: {  	_ =	swait.ge [sflag:s7], $0x10000  }
0x25: {  	[sflag:s7] =	ssyncset.done $0x0  }
0x26: {  	[sflag:s7] =	ssyncadd.s32 $0xFFFF0000  }
0x27: {  	[hbm4b:s8+s2] =	stream.linear.scatter [tilespmem:s6], [sflag:$0x2], $0x10000, $0x38;
	[tilespmem:$0x10200] =	vst v63  }
0x28: {  	_ =	swait.ge [sflag:s3], $0x10000  }
0x29: {  	[sflag:s3] =	ssyncset.done $0x0  }
0x2a: {  	[sflag:s3] =	ssyncadd.s32 $0xFFFF0000  }
0x2b: {  	[tilespmem:s2], [sflag:$0x2] =	stream.linear.gather [hbm4b:s9+s2], $0x200, $0x38;
	[tilespmem:$0x10200] =	vst v63  }
0x2c: {  	_ =	swait.ge [sflag:s3], $0x200  }
0x2d: {  	[sflag:s3] =	ssyncset.done $0x0  }
0x2e: {  	[sflag:s3] =	ssyncadd.s32 $0xFFFFFE00  }
0x2f: {  	[tilespmem:s6], [sflag:$0x1] =	stream.indirect.gather [hbm4b:s5+s6], $0x80, s2, s6, $0xb8;
	[tilespmem:$0x10200] =	vst v63  }
0x30: {  	_ =	swait.ge [sflag:s7], $0x10000  }
.Ltmp1:
0x31: {  	[sflag:s7] =	ssyncset.done $0x0;
	(pc) =	sbr.rel @p0 .LBB2_1-.Ltmp1, $4  }
0x32: {  	[sflag:s7] =	ssyncadd.s32 $0xFFFF0000  }
0x33: {  	[hbm4b:s10+s2] =	stream.linear.scatter [tilespmem:s6], [sflag:$0x2], $0x10000, $0x38;
	[tilespmem:$0x10200] =	vst v63  }
0x34: {  	_ =	swait.ge [sflag:s3], $0x10000  }
0x35: {  	[sflag:s3] =	ssyncset.done $0x0  }
.LBB2_2:
0x36: {  	[sflag:s3] =	ssyncadd.s32 $0xFFFF0000  }
0x37: {  	_ =	sfence.sel $0x180000  }
0x38: {  	[bflag:$0x0] =	sbarrier.arrive $0xFFFF  }
0x39: {  	p0 =	sne.s32 s0, $0x0;
	_ =	strace $0x90000047  }
0x3a: {  	s0 =	sadd.s32 @!p0 $0x100000, s1;
	[bflag:$0x2] =	sbarrier.arrive $0xFFFF  }
0x3b: {  	[sflag:s0] =	ssyncadd.tile.s32 @!p0 $0x1;
	_ =	shalt  }
.Lfunc_end2:
_tile_overlayer_lowered:
.L_overlay_start_2:
0x3c: {  	(tag) =	ssettag $0x2  }
0x3d: {  	s0 =	rddreg [dreg:$0x0];
	s2 =	stileid.u32  }
0x3e: {  	s1 =	rddreg [dreg:$0x1];
	p0 =	sne.s32 s2, $0x0  }
0x3f: {  	s3 =	rddreg [dreg:$0x2];
	[bflag:$0x3] =	sbarrier.arrive $0xFFFF;
	s2 =	simm.s32 @!p0 $0x1C02  }
0x40: {  	[timem:s3], [sflag:s2] =	dma.local @!p0 [hbm:s0], s1  }
0x41: {  	s0 =	simm.s32 @!p0 $0x2  }
0x42: {  	_ =	swait.ge @!p0 [sflag:s0], s1  }
0x43: {  	s1 =	ssub.s32 @!p0 $0x0, s1;
	[sflag:s0] =	ssyncset.done @!p0 $0x0  }
0x44: {  	[sflag:s0] =	ssyncadd.s32 @!p0 s1  }
0x45: {  	[bflag:$0x3] =	sbarrier.arrive $0xFFFF  }
0x46: {  	_ =	shalt  }

</sc_bundles>
